<compile_context>
chip_gen: v7x
topology: tpu7x:2x2x1
jax: 0.10.2.dev20260603
libtpu: 0.0.44.dev20260713+nightly
codegen_flags: <defaults>
</compile_context>

<pallas_src>
import jax
import jax.numpy as jnp
from jax.experimental import pallas as pl

BATCH = 16384
MF_DIM = 16
MLP_DIM = 32


def _mlp_chain_body(umlpT_ref, mmlpT_ref, w1a_ref, w1b_ref, b1_ref,
                    w2_ref, b2_ref, w3_ref, b3_ref, wfb_ref, bf_ref,
                    s2_ref):
    h1 = jnp.maximum(
        jnp.dot(w1a_ref[...], umlpT_ref[...], preferred_element_type=jnp.float32)
        + jnp.dot(w1b_ref[...], mmlpT_ref[...], preferred_element_type=jnp.float32)
        + b1_ref[...], 0.0)
    h2 = jnp.maximum(
        jnp.dot(w2_ref[...], h1, preferred_element_type=jnp.float32)
        + b2_ref[...], 0.0)
    h3 = jnp.maximum(
        jnp.dot(w3_ref[...], h2, preferred_element_type=jnp.float32)
        + b3_ref[...], 0.0)
    s2_ref[...] = (jnp.dot(wfb_ref[...], h3,
                           preferred_element_type=jnp.float32)
                   + bf_ref[0, 0])


def _final_body(umfT_ref, mmfT_ref, s2_ref, wfa_ref, out_ref):
    gmf = umfT_ref[...] * mmfT_ref[...]
    fin = (jnp.dot(wfa_ref[...], gmf, preferred_element_type=jnp.float32)
           + s2_ref[...])
    out_ref[...] = 5.0 * jax.nn.sigmoid(fin)


def _tc_mlp_chain(umlpT, mmlpT, w1a, w1b, b1, w2, b2, w3, b3, wfb, bf):
    bk = 4096
    grid = (BATCH // bk,)
    full = lambda i: (0, 0)
    col = lambda i: (0, i)
    return pl.pallas_call(
        _mlp_chain_body,
        grid=grid,
        in_specs=[
            pl.BlockSpec((MLP_DIM, bk), col),
            pl.BlockSpec((MLP_DIM, bk), col),
            pl.BlockSpec((2 * MLP_DIM, MLP_DIM), full),
            pl.BlockSpec((2 * MLP_DIM, MLP_DIM), full),
            pl.BlockSpec((2 * MLP_DIM, 1), full),
            pl.BlockSpec((2 * MLP_DIM, 2 * MLP_DIM), full),
            pl.BlockSpec((2 * MLP_DIM, 1), full),
            pl.BlockSpec((MLP_DIM, 2 * MLP_DIM), full),
            pl.BlockSpec((MLP_DIM, 1), full),
            pl.BlockSpec((1, MLP_DIM), full),
            pl.BlockSpec((1, 1), full),
        ],
        out_specs=pl.BlockSpec((1, bk), col),
        out_shape=jax.ShapeDtypeStruct((1, BATCH), jnp.float32),
    )(umlpT, mmlpT, w1a, w1b, b1, w2, b2, w3, b3, wfb, bf)


def _tc_final(umfT, mmfT, s2, wfa):
    bk = 16384
    grid = (BATCH // bk,)
    full = lambda i: (0, 0)
    col = lambda i: (0, i)
    return pl.pallas_call(
        _final_body,
        grid=grid,
        in_specs=[
            pl.BlockSpec((MF_DIM, bk), col),
            pl.BlockSpec((MF_DIM, bk), col),
            pl.BlockSpec((1, bk), col),
            pl.BlockSpec((1, MF_DIM), full),
        ],
        out_specs=pl.BlockSpec((1, bk), col),
        out_shape=jax.ShapeDtypeStruct((1, BATCH), jnp.float32),
    )(umfT, mmfT, s2, wfa)


def kernel(X, user_mf, movie_mf, user_mlp, movie_mlp,
           W1, b1, W2, b2, W3, b3, Wf, bf):
    uidx = X[:, 0:1]
    midx = X[:, 1:2]
    dn = jax.lax.GatherDimensionNumbers(
        offset_dims=(1,), collapsed_slice_dims=(0,), start_index_map=(0,))
    pib = jax.lax.GatherScatterMode.PROMISE_IN_BOUNDS

    def take(table, idx):
        return jax.lax.gather(table, idx, dn,
                              slice_sizes=(1, table.shape[1]), mode=pib)

    umlpT = take(user_mlp, uidx).T
    mmlpT = take(movie_mlp, midx).T
    umfT = take(user_mf, uidx).T
    mmfT = take(movie_mf, midx).T
    w1a = W1[:, :MLP_DIM]
    w1b = W1[:, MLP_DIM:]
    wfa = Wf[:, :MF_DIM]
    wfb = Wf[:, MF_DIM:]
    s2 = _tc_mlp_chain(umlpT, mmlpT, w1a, w1b, b1.reshape(-1, 1),
                       W2, b2.reshape(-1, 1), W3, b3.reshape(-1, 1),
                       wfb, bf.reshape(1, 1))
    out = _tc_final(umfT, mmfT, s2, wfa)
    return out.reshape(BATCH, 1)

# --- scband reference (transcript-rebuilt; emitter-appended) ---
"""Pipeline reference for scband-ncf-63574105915864 (READ-ONLY COPY).

The authoritative reference and input builder live on the scoring server;
editing this copy changes nothing except your own understanding.
"""

import jax, jax.numpy as jnp
import numpy as np

NUM_USERS = 1000000
NUM_MOVIES = 1000000
MF_DIM = 16
MLP_DIM = 32
BATCH = 16384


def setup_inputs(seed: int = 0) -> dict:
    key = jax.random.key(seed)
    ks = jax.random.split(key, 16)
    X = jax.random.randint(ks[0], (BATCH, 2), 0, 1000000, dtype=jnp.int64 if jax.config.jax_enable_x64 else jnp.int32).astype(jnp.int32)
    s = 0.02
    user_mf = jax.random.normal(ks[1], (NUM_USERS + 1, MF_DIM), dtype=jnp.float32) * s
    movie_mf = jax.random.normal(ks[2], (NUM_MOVIES + 1, MF_DIM), dtype=jnp.float32) * s
    user_mlp = jax.random.normal(ks[3], (NUM_USERS + 1, MLP_DIM), dtype=jnp.float32) * s
    movie_mlp = jax.random.normal(ks[4], (NUM_MOVIES + 1, MLP_DIM), dtype=jnp.float32) * s
    W1 = jax.random.normal(ks[5], (2 * MLP_DIM, 2 * MLP_DIM), dtype=jnp.float32) * s
    b1 = jnp.zeros((2 * MLP_DIM,), dtype=jnp.float32)
    W2 = jax.random.normal(ks[6], (2 * MLP_DIM, 2 * MLP_DIM), dtype=jnp.float32) * s
    b2 = jnp.zeros((2 * MLP_DIM,), dtype=jnp.float32)
    W3 = jax.random.normal(ks[7], (MLP_DIM, 2 * MLP_DIM), dtype=jnp.float32) * s
    b3 = jnp.zeros((MLP_DIM,), dtype=jnp.float32)
    Wf = jax.random.normal(ks[8], (1, MLP_DIM + MF_DIM), dtype=jnp.float32) * s
    bf = jnp.zeros((1,), dtype=jnp.float32)
    return {"X": X, "user_mf": user_mf, "movie_mf": movie_mf, "user_mlp": user_mlp,
            "movie_mlp": movie_mlp, "W1": W1, "b1": b1, "W2": W2, "b2": b2,
            "W3": W3, "b3": b3, "Wf": Wf, "bf": bf}


def reference(X, user_mf, movie_mf, user_mlp, movie_mlp, W1, b1, W2, b2, W3, b3, Wf, bf):
    user = X[:, 0]
    movie = X[:, 1]
    umf = jnp.take(user_mf, user, axis=0)
    mmf = jnp.take(movie_mf, movie, axis=0)
    umlp = jnp.take(user_mlp, user, axis=0)
    mmlp = jnp.take(movie_mlp, movie, axis=0)
    mlp_input = jnp.concatenate((umlp, mmlp), axis=1)
    out = jax.nn.relu(mlp_input @ W1.T + b1)
    out = jax.nn.relu(out @ W2.T + b2)
    out = jax.nn.relu(out @ W3.T + b3)
    gmf = umf * mmf
    final_input = jnp.concatenate((gmf, out), axis=1)
    final_out = final_input @ Wf.T + bf
    final_out = 5.0 * jax.nn.sigmoid(final_out)
    return final_out

if __name__ == "__main__":
    import jax
    _d = setup_inputs()
    print(jax.jit(kernel)(*tuple(_d.values())))

</pallas_src>

<mosaic_0001>
module attributes {stable_mosaic.version = 14 : i64} {
  func.func @_mlp_chain_body(%arg0: i32, %arg1: memref<32x4096xf32, #tpu.memory_space<vmem>>, %arg2: memref<32x4096xf32, #tpu.memory_space<vmem>>, %arg3: memref<64x32xf32, #tpu.memory_space<vmem>>, %arg4: memref<64x32xf32, #tpu.memory_space<vmem>>, %arg5: memref<64x1xf32, #tpu.memory_space<vmem>>, %arg6: memref<64x64xf32, #tpu.memory_space<vmem>>, %arg7: memref<64x1xf32, #tpu.memory_space<vmem>>, %arg8: memref<32x64xf32, #tpu.memory_space<vmem>>, %arg9: memref<32x1xf32, #tpu.memory_space<vmem>>, %arg10: memref<1x32xf32, #tpu.memory_space<vmem>>, %arg11: memref<1x1xf32, #tpu.memory_space<vmem>>, %arg12: memref<1x4096xf32, #tpu.memory_space<vmem>>) attributes {dimension_semantics = [#tpu.dimension_semantics<arbitrary>], iteration_bounds = array<i64: 4>, scalar_prefetch = 0 : i64, scratch_operands = 0 : i64, tpu.core_type = #tpu.core_type<tc>, window_params = [{transform_indices = @transform_0, window_bounds = array<i64: 32, 4096>}, {transform_indices = @transform_1, window_bounds = array<i64: 32, 4096>}, {pipeline_mode = #tpu.pipeline_mode<synchronous>, transform_indices = @transform_2, window_bounds = array<i64: 64, 32>}, {pipeline_mode = #tpu.pipeline_mode<synchronous>, transform_indices = @transform_3, window_bounds = array<i64: 64, 32>}, {pipeline_mode = #tpu.pipeline_mode<synchronous>, transform_indices = @transform_4, window_bounds = array<i64: 64, 1>}, {pipeline_mode = #tpu.pipeline_mode<synchronous>, transform_indices = @transform_5, window_bounds = array<i64: 64, 64>}, {pipeline_mode = #tpu.pipeline_mode<synchronous>, transform_indices = @transform_6, window_bounds = array<i64: 64, 1>}, {pipeline_mode = #tpu.pipeline_mode<synchronous>, transform_indices = @transform_7, window_bounds = array<i64: 32, 64>}, {pipeline_mode = #tpu.pipeline_mode<synchronous>, transform_indices = @transform_8, window_bounds = array<i64: 32, 1>}, {pipeline_mode = #tpu.pipeline_mode<synchronous>, transform_indices = @transform_9, window_bounds = array<i64: 1, 32>}, {pipeline_mode = #tpu.pipeline_mode<synchronous>, transform_indices = @transform_10, window_bounds = array<i64: 1, 1>}, {transform_indices = @transform_11, window_bounds = array<i64: 1, 4096>}]} {
    %get3A = arith.constant 0 : index
    %get3A_0 = arith.constant 0 : index
    %get3A_1 = vector.load %arg3[%get3A, %get3A_0] : memref<64x32xf32, #tpu.memory_space<vmem>>, vector<64x32xf32>
    %get3A_2 = arith.constant 0 : index
    %get3A_3 = arith.constant 0 : index
    %get3A_4 = vector.load %arg1[%get3A_2, %get3A_3] : memref<32x4096xf32, #tpu.memory_space<vmem>>, vector<32x4096xf32>
    %dot_general3A = arith.constant dense<0.000000e+00> : vector<64x4096xf32>
    %dot_general3A_5 = tpu.matmul %get3A_1, %get3A_4, %dot_general3A {dimension_numbers = #tpu.dot_dimension_numbers<[1], [0], [0], [1], [0, 0, 1, 1], [], []>, transpose_lhs_hint = false} : vector<64x32xf32>, vector<32x4096xf32>, vector<64x4096xf32> -> vector<64x4096xf32>
    %get3A_6 = arith.constant 0 : index
    %get3A_7 = arith.constant 0 : index
    %get3A_8 = vector.load %arg4[%get3A_6, %get3A_7] : memref<64x32xf32, #tpu.memory_space<vmem>>, vector<64x32xf32>
    %get3A_9 = arith.constant 0 : index
    %get3A_10 = arith.constant 0 : index
    %get3A_11 = vector.load %arg2[%get3A_9, %get3A_10] : memref<32x4096xf32, #tpu.memory_space<vmem>>, vector<32x4096xf32>
    %dot_general3A_12 = arith.constant dense<0.000000e+00> : vector<64x4096xf32>
    %dot_general3A_13 = tpu.matmul %get3A_8, %get3A_11, %dot_general3A_12 {dimension_numbers = #tpu.dot_dimension_numbers<[1], [0], [0], [1], [0, 0, 1, 1], [], []>, transpose_lhs_hint = false} : vector<64x32xf32>, vector<32x4096xf32>, vector<64x4096xf32> -> vector<64x4096xf32>
    %add3A = arith.addf %dot_general3A_5, %dot_general3A_13 : vector<64x4096xf32>
    %get3A_14 = arith.constant 0 : index
    %get3A_15 = arith.constant 0 : index
    %get3A_16 = vector.load %arg5[%get3A_14, %get3A_15] : memref<64x1xf32, #tpu.memory_space<vmem>>, vector<64x1xf32>
    %add3A_17 = vector.broadcast %get3A_16 : vector<64x1xf32> to vector<64x4096xf32>
    %add3A_18 = arith.addf %add3A, %add3A_17 : vector<64x4096xf32>
    %max3A = arith.constant 0.000000e+00 : f32
    %max3A_19 = vector.broadcast %max3A : f32 to vector<64x4096xf32>
    %max3A_20 = arith.maximumf %add3A_18, %max3A_19 : vector<64x4096xf32>
    %get3A_21 = arith.constant 0 : index
    %get3A_22 = arith.constant 0 : index
    %get3A_23 = vector.load %arg6[%get3A_21, %get3A_22] : memref<64x64xf32, #tpu.memory_space<vmem>>, vector<64x64xf32>
    %dot_general3A_24 = arith.constant dense<0.000000e+00> : vector<64x4096xf32>
    %dot_general3A_25 = tpu.matmul %get3A_23, %max3A_20, %dot_general3A_24 {dimension_numbers = #tpu.dot_dimension_numbers<[1], [0], [0], [1], [0, 0, 1, 1], [], []>, transpose_lhs_hint = false} : vector<64x64xf32>, vector<64x4096xf32>, vector<64x4096xf32> -> vector<64x4096xf32>
    %get3A_26 = arith.constant 0 : index
    %get3A_27 = arith.constant 0 : index
    %get3A_28 = vector.load %arg7[%get3A_26, %get3A_27] : memref<64x1xf32, #tpu.memory_space<vmem>>, vector<64x1xf32>
    %add3A_29 = vector.broadcast %get3A_28 : vector<64x1xf32> to vector<64x4096xf32>
    %add3A_30 = arith.addf %dot_general3A_25, %add3A_29 : vector<64x4096xf32>
    %max3A_31 = arith.constant 0.000000e+00 : f32
    %max3A_32 = vector.broadcast %max3A_31 : f32 to vector<64x4096xf32>
    %max3A_33 = arith.maximumf %add3A_30, %max3A_32 : vector<64x4096xf32>
    %get3A_34 = arith.constant 0 : index
    %get3A_35 = arith.constant 0 : index
    %get3A_36 = vector.load %arg8[%get3A_34, %get3A_35] : memref<32x64xf32, #tpu.memory_space<vmem>>, vector<32x64xf32>
    %dot_general3A_37 = arith.constant dense<0.000000e+00> : vector<32x4096xf32>
    %dot_general3A_38 = tpu.matmul %get3A_36, %max3A_33, %dot_general3A_37 {dimension_numbers = #tpu.dot_dimension_numbers<[1], [0], [0], [1], [0, 0, 1, 1], [], []>, transpose_lhs_hint = false} : vector<32x64xf32>, vector<64x4096xf32>, vector<32x4096xf32> -> vector<32x4096xf32>
    %get3A_39 = arith.constant 0 : index
    %get3A_40 = arith.constant 0 : index
    %get3A_41 = vector.load %arg9[%get3A_39, %get3A_40] : memref<32x1xf32, #tpu.memory_space<vmem>>, vector<32x1xf32>
    %add3A_42 = vector.broadcast %get3A_41 : vector<32x1xf32> to vector<32x4096xf32>
    %add3A_43 = arith.addf %dot_general3A_38, %add3A_42 : vector<32x4096xf32>
    %max3A_44 = arith.constant 0.000000e+00 : f32
    %max3A_45 = vector.broadcast %max3A_44 : f32 to vector<32x4096xf32>
    %max3A_46 = arith.maximumf %add3A_43, %max3A_45 : vector<32x4096xf32>
    %get3A_47 = arith.constant 0 : index
    %get3A_48 = arith.constant 0 : index
    %get3A_49 = vector.load %arg10[%get3A_47, %get3A_48] : memref<1x32xf32, #tpu.memory_space<vmem>>, vector<1x32xf32>
    %dot_general3A_50 = arith.constant dense<0.000000e+00> : vector<1x4096xf32>
    %dot_general3A_51 = tpu.matmul %get3A_49, %max3A_46, %dot_general3A_50 {dimension_numbers = #tpu.dot_dimension_numbers<[1], [0], [0], [1], [0, 0, 1, 1], [], []>, transpose_lhs_hint = false} : vector<1x32xf32>, vector<32x4096xf32>, vector<1x4096xf32> -> vector<1x4096xf32>
    %get3A_52 = arith.constant 0 : index
    %get3A_53 = arith.constant 0 : index
    %get3A_54 = vector.load %arg11[%get3A_52, %get3A_53] : memref<1x1xf32, #tpu.memory_space<vmem>>, vector<1x1xf32>
    %get3A_55 = vector.extract %get3A_54[0, 0] : f32 from vector<1x1xf32>
    %add3A_56 = vector.broadcast %get3A_55 : f32 to vector<1x4096xf32>
    %add3A_57 = arith.addf %dot_general3A_51, %add3A_56 : vector<1x4096xf32>
    %swap3A = arith.constant 0 : index
    %swap3A_58 = arith.constant 0 : index
    %swap3A_59 = vector.load %arg12[%swap3A, %swap3A_58] : memref<1x4096xf32, #tpu.memory_space<vmem>>, vector<1x4096xf32>
    tpu.vector_store %arg12[%swap3A, %swap3A_58], %add3A_57 {strides = array<i32>} : memref<1x4096xf32, #tpu.memory_space<vmem>>, vector<1x4096xf32>,
    return
  }
  func.func @transform_0(%arg0: i32) -> (i32, i32) {
    %c0_i32 = arith.constant 0 : i32
    %c0_i32_0 = arith.constant 0 : i32
    return %c0_i32, %arg0 : i32, i32
  }
  func.func @transform_1(%arg0: i32) -> (i32, i32) {
    %c0_i32 = arith.constant 0 : i32
    %c0_i32_0 = arith.constant 0 : i32
    return %c0_i32, %arg0 : i32, i32
  }
  func.func @transform_2(%arg0: i32) -> (i32, i32) {
    %c0_i32 = arith.constant 0 : i32
    %c0_i32_0 = arith.constant 0 : i32
    %c0_i32_1 = arith.constant 0 : i32
    return %c0_i32, %c0_i32_0 : i32, i32
  }
  func.func @transform_3(%arg0: i32) -> (i32, i32) {
    %c0_i32 = arith.constant 0 : i32
    %c0_i32_0 = arith.constant 0 : i32
    %c0_i32_1 = arith.constant 0 : i32
    return %c0_i32, %c0_i32_0 : i32, i32
  }
  func.func @transform_4(%arg0: i32) -> (i32, i32) {
    %c0_i32 = arith.constant 0 : i32
    %c0_i32_0 = arith.constant 0 : i32
    %c0_i32_1 = arith.constant 0 : i32
    return %c0_i32, %c0_i32_0 : i32, i32
  }
  func.func @transform_5(%arg0: i32) -> (i32, i32) {
    %c0_i32 = arith.constant 0 : i32
    %c0_i32_0 = arith.constant 0 : i32
    %c0_i32_1 = arith.constant 0 : i32
    return %c0_i32, %c0_i32_0 : i32, i32
  }
  func.func @transform_6(%arg0: i32) -> (i32, i32) {
    %c0_i32 = arith.constant 0 : i32
    %c0_i32_0 = arith.constant 0 : i32
    %c0_i32_1 = arith.constant 0 : i32
    return %c0_i32, %c0_i32_0 : i32, i32
  }
  func.func @transform_7(%arg0: i32) -> (i32, i32) {
    %c0_i32 = arith.constant 0 : i32
    %c0_i32_0 = arith.constant 0 : i32
    %c0_i32_1 = arith.constant 0 : i32
    return %c0_i32, %c0_i32_0 : i32, i32
  }
  func.func @transform_8(%arg0: i32) -> (i32, i32) {
    %c0_i32 = arith.constant 0 : i32
    %c0_i32_0 = arith.constant 0 : i32
    %c0_i32_1 = arith.constant 0 : i32
    return %c0_i32, %c0_i32_0 : i32, i32
  }
  func.func @transform_9(%arg0: i32) -> (i32, i32) {
    %c0_i32 = arith.constant 0 : i32
    %c0_i32_0 = arith.constant 0 : i32
    %c0_i32_1 = arith.constant 0 : i32
    return %c0_i32, %c0_i32_0 : i32, i32
  }
  func.func @transform_10(%arg0: i32) -> (i32, i32) {
    %c0_i32 = arith.constant 0 : i32
    %c0_i32_0 = arith.constant 0 : i32
    %c0_i32_1 = arith.constant 0 : i32
    return %c0_i32, %c0_i32_0 : i32, i32
  }
  func.func @transform_11(%arg0: i32) -> (i32, i32) {
    %c0_i32 = arith.constant 0 : i32
    %c0_i32_0 = arith.constant 0 : i32
    return %c0_i32, %arg0 : i32, i32
  }
}

module attributes {stable_mosaic.version = 14 : i64} {
  func.func @_final_body(%arg0: i32, %arg1: memref<16x16384xf32, #tpu.memory_space<vmem>>, %arg2: memref<16x16384xf32, #tpu.memory_space<vmem>>, %arg3: memref<1x16384xf32, #tpu.memory_space<vmem>>, %arg4: memref<1x16xf32, #tpu.memory_space<vmem>>, %arg5: memref<1x16384xf32, #tpu.memory_space<vmem>>) attributes {dimension_semantics = [#tpu.dimension_semantics<arbitrary>], iteration_bounds = array<i64: 1>, scalar_prefetch = 0 : i64, scratch_operands = 0 : i64, tpu.core_type = #tpu.core_type<tc>, window_params = [{transform_indices = @transform_0, window_bounds = array<i64: 16, 16384>}, {transform_indices = @transform_1, window_bounds = array<i64: 16, 16384>}, {transform_indices = @transform_2, window_bounds = array<i64: 1, 16384>}, {pipeline_mode = #tpu.pipeline_mode<synchronous>, transform_indices = @transform_3, window_bounds = array<i64: 1, 16>}, {transform_indices = @transform_4, window_bounds = array<i64: 1, 16384>}]} {
    %get3A = arith.constant 0 : index
    %get3A_0 = arith.constant 0 : index
    %get3A_1 = vector.load %arg1[%get3A, %get3A_0] : memref<16x16384xf32, #tpu.memory_space<vmem>>, vector<16x16384xf32>
    %get3A_2 = arith.constant 0 : index
    %get3A_3 = arith.constant 0 : index
    %get3A_4 = vector.load %arg2[%get3A_2, %get3A_3] : memref<16x16384xf32, #tpu.memory_space<vmem>>, vector<16x16384xf32>
    %mul3A = arith.mulf %get3A_1, %get3A_4 : vector<16x16384xf32>
    %get3A_5 = arith.constant 0 : index
    %get3A_6 = arith.constant 0 : index
    %get3A_7 = vector.load %arg4[%get3A_5, %get3A_6] : memref<1x16xf32, #tpu.memory_space<vmem>>, vector<1x16xf32>
    %dot_general3A = arith.constant dense<0.000000e+00> : vector<1x16384xf32>
    %dot_general3A_8 = tpu.matmul %get3A_7, %mul3A, %dot_general3A {dimension_numbers = #tpu.dot_dimension_numbers<[1], [0], [0], [1], [0, 0, 1, 1], [], []>, transpose_lhs_hint = false} : vector<1x16xf32>, vector<16x16384xf32>, vector<1x16384xf32> -> vector<1x16384xf32>
    %get3A_9 = arith.constant 0 : index
    %get3A_10 = arith.constant 0 : index
    %get3A_11 = vector.load %arg3[%get3A_9, %get3A_10] : memref<1x16384xf32, #tpu.memory_space<vmem>>, vector<1x16384xf32>
    %add3A = arith.addf %dot_general3A_8, %get3A_11 : vector<1x16384xf32>
    %logistic3A = arith.negf %add3A : vector<1x16384xf32>
    %logistic3A_12 = math.exp %logistic3A : vector<1x16384xf32>
    %logistic3A_13 = arith.constant 1.000000e+00 : f32
    %logistic3A_14 = vector.broadcast %logistic3A_13 : f32 to vector<1x16384xf32>
    %logistic3A_15 = arith.addf %logistic3A_14, %logistic3A_12 : vector<1x16384xf32>
    %logistic3A_16 = arith.divf %logistic3A_14, %logistic3A_15 : vector<1x16384xf32>
    %mul3A_17 = arith.constant 5.000000e+00 : f32
    %mul3A_18 = vector.broadcast %mul3A_17 : f32 to vector<1x16384xf32>
    %mul3A_19 = arith.mulf %mul3A_18, %logistic3A_16 : vector<1x16384xf32>
    %swap3A = arith.constant 0 : index
    %swap3A_20 = arith.constant 0 : index
    %swap3A_21 = vector.load %arg5[%swap3A, %swap3A_20] : memref<1x16384xf32, #tpu.memory_space<vmem>>, vector<1x16384xf32>
    tpu.vector_store %arg5[%swap3A, %swap3A_20], %mul3A_19 {strides = array<i32>} : memref<1x16384xf32, #tpu.memory_space<vmem>>, vector<1x16384xf32>,
    return
  }
  func.func @transform_0(%arg0: i32) -> (i32, i32) {
    %c0_i32 = arith.constant 0 : i32
    %c0_i32_0 = arith.constant 0 : i32
    return %c0_i32, %arg0 : i32, i32
  }
  func.func @transform_1(%arg0: i32) -> (i32, i32) {
    %c0_i32 = arith.constant 0 : i32
    %c0_i32_0 = arith.constant 0 : i32
    return %c0_i32, %arg0 : i32, i32
  }
  func.func @transform_2(%arg0: i32) -> (i32, i32) {
    %c0_i32 = arith.constant 0 : i32
    %c0_i32_0 = arith.constant 0 : i32
    return %c0_i32, %arg0 : i32, i32
  }
  func.func @transform_3(%arg0: i32) -> (i32, i32) {
    %c0_i32 = arith.constant 0 : i32
    %c0_i32_0 = arith.constant 0 : i32
    %c0_i32_1 = arith.constant 0 : i32
    return %c0_i32, %c0_i32_0 : i32, i32
  }
  func.func @transform_4(%arg0: i32) -> (i32, i32) {
    %c0_i32 = arith.constant 0 : i32
    %c0_i32_0 = arith.constant 0 : i32
    return %c0_i32, %arg0 : i32, i32
  }
}

</mosaic_0001>

<sc_bundles>
// kernel: gather_offload_async_start.1
scs
__scs_entry_jumppad:
0x0: {  	(pc) =	sbr.rel $0x88, $3  }
0x1: {  	(tag) =	ssettag $0x0;
	lr =	simm.s32 $0x1  }
0x2: {  	[smem:$0x3F94] =	sst lr;
	_ =	strace $0xD0000000  }
0x3: {  	_ = 	snop  }
0x4: {  	_ = 	snop  }
0x5: {  	_ = 	snop  }
0x6: {  	_ = 	snop  }
0x7: {  	_ = 	snop  }
__scs_overlays_trampoline_lowered:
0x8: {  	[smem:$0x3FA3] =	sst s0  }
0x9: {  	[smem:$0x3FA4] =	sst s1  }
0xa: {  	[smem:$0x3FA5] =	sst s2  }
0xb: {  	[smem:$0x3FA6] =	sst s3  }
0xc: {  	[smem:$0x3FA7] =	sst s4  }
0xd: {  	[smem:$0x3FA8] =	sst s5  }
0xe: {  	[smem:$0x3FA9] =	sst s6  }
0xf: {  	[smem:$0x3FAA] =	sst s7  }
0x10: {  	[smem:$0x3FAB] =	sst s8  }
0x11: {  	[smem:$0x3FAC] =	sst s9;
	s0 =	simm.s32 @!p0 $0x0  }
0x12: {  	s1 =	sld [smem:$0x3F92];
	s0 =	simm.s32 @p0 $0x1  }
0x13: {  	[smem:$0x3FAD] =	sst s0;
	s0 =	simm.s32 @!p1 $0x0  }
0x14: {  	s2 =	sld [smem:$0x3F91];
	s0 =	simm.s32 @p1 $0x1  }
0x15: {  	[smem:$0x3FAE] =	sst s0;
	s0 =	simm.s32 @!p2 $0x0  }
0x16: {  	s3 =	sld [smem:$0x3FDB];
	s0 =	simm.s32 @p2 $0x1  }
0x17: {  	s4 =	simm.s32 $0x1BF5;
	[smem:$0x3FB0] =	sst s0  }
0x18: {  	s0 =	sld [smem:$0x3F93];
	_ =	swait.ge [sflag:s4], $0x0  }
0x19: {  	s7 =	sld [smem:$0x3F94]  }
0x1a: {  	s8 =	sadd.s32 $0xFFFFE003, lr  }
0x1b: {  	s9 =	sadd.s32 $0xFFFFFEF7, lr;
	s5 =	simm.s32 $0xFFFFFFFF;
	p2 =	slt.u32 s8, $0xFFFFF086  }
0x1c: {  	p1 =	slt.u32 s9, $0xF7A;
	s5 =	simm.s32 @!p2 $0x0  }
0x1d: {  	s5 =	simm.s32 @p1 $0x1;
	p0 =	seq.s32 s7, s2  }
0x1e: {  	s7 =	smul.u32 @!p0 $0xF7A, s2;
	p2 =	seq.s32 @!p0 s5, $0x0  }
0x1f: {  	s9 =	smul.u32 $0xF7A, s1;
	s8 =	simm.s32 @!p0 $0x1BF5;
	p2 =	por !p2, p0  }
0x20: {  	[sflag:s8] =	ssyncset.s32 @!p0 $0xFFFFF086;
	s6 =	sadd.s32 @!p0 s3, s7;
	s7 =	simm.s32 @!p0 $0x108  }
0x21: {  	s3 =	sadd.s32 s3, s9;
	s6 =	sadd.s32 @!p0 $0x88, s6;
	s7 =	simm.s32 @p2 $0x1082  }
0x22: {  	[simem:s7], [sflag:s8] =	dma.local @!p0 [hbm:s6], $0xF7A  }
0x23: {  	s9 =	sor.u32 $0xD0000000, s2;
	s6 =	simm.s32 $0x108;
	_ =	swait.ge @!p0 [sflag:s8], $0x0  }
0x24: {  	s3 =	sadd.s32 $0x88, s3;
	s6 =	simm.s32 @!p1 $0x1082;
	[sflag:s4] =	ssyncset.s32 $0xFFFFF086  }
0x25: {  	[simem:s6], [sflag:s4] =	dma.local [hbm:s3], $0xF7A  }
0x26: {  	[smem:$0x3F94] =	sst s1;
	(tag) =	ssettag s2;
	_ =	strace s9  }
0x27: {  	s1 =	sld [smem:$0x3FA4]  }
0x28: {  	s2 =	sld [smem:$0x3FA5]  }
0x29: {  	s4 =	sld [smem:$0x3FA7]  }
0x2a: {  	p0 =	seq.s32 s5, $0x0;
	s5 =	sld [smem:$0x3FA8]  }
0x2b: {  	s6 =	sld [smem:$0x3FA9]  }
0x2c: {  	s7 =	sld [smem:$0x3FAA]  }
0x2d: {  	s3 =	simm.s32 $0x108;
	s8 =	sld [smem:$0x3FAB]  }
0x2e: {  	s3 =	simm.s32 @!p0 $0x1082;
	s9 =	sld [smem:$0x3FAC]  }
0x2f: {  	lr =	sadd.s32 s0, s3;
	s0 =	sld [smem:$0x3FA3]  }
0x30: {  	s3 =	sld [smem:$0x3FA6]  }
0x31: {  	[smem:$0x3FAF] =	sst s10  }
0x32: {  	s10 =	sld [smem:$0x3FAD];
	_ =	sdelay $0x3  }
0x33: {  	p0 =	seq.s32 s10, $0x1;
	s10 =	sld [smem:$0x3FAF];
	_ =	sdelay $0x3  }
0x34: {  	[smem:$0x3FAF] =	sst s10  }
0x35: {  	s10 =	sld [smem:$0x3FAE];
	_ =	sdelay $0x3  }
0x36: {  	p1 =	seq.s32 s10, $0x1;
	s10 =	sld [smem:$0x3FAF];
	_ =	sdelay $0x3  }
0x37: {  	[smem:$0x3FAF] =	sst s10  }
0x38: {  	s10 =	sld [smem:$0x3FB0]  }
0x39: {  	_ = 	snop;
	(pc) =	sbr.ind lr, $3  }
0x3a: {  	_ = 	snop  }
0x3b: {  	_ = 	snop  }
0x3c: {  	p2 =	seq.s32 s10, $0x1;
	s10 =	sld [smem:$0x3FAF]  }
0x3d: {  	_ =	shalt  }
0x3e: {  	_ =	shalt  }
0x3f: {  	_ =	shalt  }
0x40: {  	_ =	shalt  }
0x41: {  	_ =	shalt  }
0x42: {  	_ =	shalt  }
0x43: {  	_ =	shalt  }
0x44: {  	_ =	shalt  }
0x45: {  	_ =	shalt  }
0x46: {  	_ =	shalt  }
0x47: {  	_ =	shalt  }
0x48: {  	_ =	shalt  }
0x49: {  	_ =	shalt  }
0x4a: {  	_ =	shalt  }
0x4b: {  	_ =	shalt  }
0x4c: {  	_ =	shalt  }
0x4d: {  	_ =	shalt  }
0x4e: {  	_ =	shalt  }
0x4f: {  	_ =	shalt  }
0x50: {  	_ =	shalt  }
0x51: {  	_ =	shalt  }
0x52: {  	_ =	shalt  }
0x53: {  	_ =	shalt  }
0x54: {  	_ =	shalt  }
0x55: {  	_ =	shalt  }
0x56: {  	_ =	shalt  }
0x57: {  	_ =	shalt  }
0x58: {  	_ =	shalt  }
0x59: {  	_ =	shalt  }
0x5a: {  	_ =	shalt  }
0x5b: {  	_ =	shalt  }
0x5c: {  	_ =	shalt  }
0x5d: {  	_ =	shalt  }
0x5e: {  	_ =	shalt  }
0x5f: {  	_ =	shalt  }
0x60: {  	_ =	shalt  }
0x61: {  	_ =	shalt  }
0x62: {  	_ =	shalt  }
0x63: {  	_ =	shalt  }
0x64: {  	_ =	shalt  }
0x65: {  	_ =	shalt  }
0x66: {  	_ =	shalt  }
0x67: {  	_ =	shalt  }
0x68: {  	_ =	shalt  }
0x69: {  	_ =	shalt  }
0x6a: {  	_ =	shalt  }
0x6b: {  	_ =	shalt  }
0x6c: {  	_ =	shalt  }
0x6d: {  	_ =	shalt  }
0x6e: {  	_ =	shalt  }
0x6f: {  	_ =	shalt  }
0x70: {  	_ =	shalt  }
0x71: {  	_ =	shalt  }
0x72: {  	_ =	shalt  }
0x73: {  	_ =	shalt  }
0x74: {  	_ =	shalt  }
0x75: {  	_ =	shalt  }
0x76: {  	_ =	shalt  }
0x77: {  	_ =	shalt  }
0x78: {  	_ =	shalt  }
0x79: {  	_ =	shalt  }
0x7a: {  	_ =	shalt  }
0x7b: {  	_ =	shalt  }
0x7c: {  	_ =	shalt  }
0x7d: {  	_ =	shalt  }
0x7e: {  	_ =	shalt  }
0x7f: {  	_ =	shalt  }
0x80: {  	_ =	shalt  }
0x81: {  	_ =	shalt  }
0x82: {  	_ =	shalt  }
0x83: {  	_ =	shalt  }
0x84: {  	_ =	shalt  }
0x85: {  	_ =	shalt  }
0x86: {  	_ =	shalt  }
0x87: {  	_ =	shalt  }
.Lfunc_end0:
.L_simem_size_0:
called_computation.1_lowered:
.L_overlay_start_0:
0x88: {  	s2 =	sld [smem:$0x3FD9]  }
0x89: {  	s3 =	sld [smem:$0x3FFE];
	_ =	sdelay $0x1  }
0x8a: {  	s1 =	srdreg.scid  }
0x8b: {  	s0 =	sand.u32 $0x1, s1  }
0x8c: {  	s17 =	sshll.u32 s0, $0xA;
	s2 =	sadd.s32 s3, s2  }
0x8d: {  	s2 =	sadd.s32 s2, s17  }
0x8e: {  	[smem:$0x3FBB] =	sst s2  }
0x8f: {  	_ = 	snop  }
0x90: {  	s18 =	sld [smem:$0x3FC5]  }
0x91: {  	s4 =	sld [smem:$0x3FD0];
	(tm) =	ssettm $0x1  }
0x92: {  	s19 =	sld [smem:$0x3FFB];
	_ =	sdelay $0x3  }
0x93: {  	_ =	strace s19  }
0x94: {  	s2 =	sld [smem:$0x3FFC];
	_ =	sdelay $0x3  }
0x95: {  	_ =	strace s2  }
0x96: {  	s2 =	sld [smem:$0x3FFD];
	_ =	sdelay $0x3  }
0x97: {  	_ =	strace s2  }
0x98: {  	_ =	strace $0x8FFFFFFF  }
0x99: {  	s20 =	sld [smem:$0x3FDB];
	_ =	sdelay $0x1  }
0x9a: {  	s5 =	simm.s32 $_scs_section_size  }
0x9b: {  	s6 =	simm.s32 $_size__tile_overlayer_lowered;
	s7 =	simm.s32 $_tile_overlayer_lowered  }
0x9c: {  	s8 =	simm.s32 $0x1BFF;
	s21 =	sshll.u32 s7, $0x1;
	s5 =	sadd.s32 s5, s20  }
0x9d: {  	s22 =	simm.s32 $0x0;
	s6 =	sshll.u32 s6, $0x1;
	s7 =	sadd.s32 s21, s5  }
0x9e: {  	[timem:s22], [sflag:s8] =	dma.local [hbm:s7], s6  }
0x9f: {  	_ =	swait.ge [sflag:s8], s6  }
0xa0: {  	s6 =	ssub.s32 $0x0, s6;
	[sflag:s8] =	ssyncset.done $0x0  }
0xa1: {  	[sflag:s8] =	ssyncadd.s32 s6;
	_ =	sdelay $0x1  }
0xa2: {  	s23 =	simm.s32 $0x1B8B  }
0xa3: {  	_ =	swait.ge [sflag:s23], $0x1  }
0xa4: {  	[sflag:s23] =	ssyncset.done $0x0  }
0xa5: {  	[sflag:s23] =	ssyncadd.s32 $0xFFFFFFFF  }
0xa6: {  	s6 =	sld [smem:$0x0]  }
0xa7: {  	s7 =	sand.u32 $0xFFFFFFFE, s1  }
0xa8: {  	p0 =	sne.s32 s1, s7  }
0xa9: {  	s7 =	sshll.u32 @p0 s7, $0xE  }
0xaa: {  	s7 =	sadd.s32 @p0 $0x11B8D, s7;
	s8 =	sshll.u32 @p0 s6, $0x11  }
0xab: {  	s7 =	sor.u32 @p0 s8, s7  }
0xac: {  	[sflag:s7] =	ssyncadd.remote.s32 @p0 $0x1;
	_ =	sdelay $0x1  }
0xad: {  	s7 =	simm.s32 @p0 $0x1B8D  }
0xae: {  	_ =	swait.eq @p0 [sflag:s7], $0x1  }
0xaf: {  	[sflag:s7] =	ssyncadd.s32 @p0 $0xFFFFFFFF  }
0xb0: {  	s8 =	sshll.u32 @!p0 s1, $0xE  }
0xb1: {  	s8 =	sor.u32 @!p0 $0x4000, s8;
	s7 =	simm.s32 @!p0 $0x1B8D  }
0xb2: {  	s6 =	sshll.u32 @!p0 s6, $0x11;
	s8 =	sadd.s32 @!p0 $0x11B8D, s8;
	_ =	swait.eq @!p0 [sflag:s7], $0x1  }
0xb3: {  	s6 =	sor.u32 @!p0 s6, s8;
	[sflag:s7] =	ssyncadd.s32 @!p0 $0xFFFFFFFF  }
0xb4: {  	s25 =	simm.s32 $0x1B8E;
	s24 =	sld [smem:$0x3FFE];
	[sflag:s6] =	ssyncadd.remote.s32 @!p0 $0x1  }
0xb5: {  	s26 =	simm.s32 $execute0_lowered;
	[smem:$0x3FD2] =	sst s25  }
0xb6: {  	s7 =	sshll.u32 s26, $0x1;
	_ =	strace $0x80000049;
	[dreg:$0x1] =	wrdreg $0xFFFFFFFF  }
0xb7: {  	s28 =	simm.s32 $_size_execute0_lowered;
	s5 =	sadd.s32 s5, s7;
	[dreg:$0x0] =	wrdreg $0x0  }
0xb8: {  	s7 =	sshll.u32 s28, $0x1;
	[dreg:$0x2] =	wrdreg s5  }
0xb9: {  	[dreg:$0x3] =	wrdreg s7  }
0xba: {  	[dreg:$0x4] =	wrdreg $0xC0  }
0xbb: {  	_ =	task [dreg:s22], $0x5FFFF  }
0xbc: {  	[dreg:$0x1] =	wrdreg $0xFFFFFFFF  }
0xbd: {  	[dreg:$0x0] =	wrdreg $0x60  }
0xbe: {  	[dreg:$0x2] =	wrdreg s18  }
0xbf: {  	[dreg:$0x3] =	wrdreg s4  }
0xc0: {  	[dreg:$0x4] =	wrdreg s24  }
0xc1: {  	[dreg:$0x5] =	wrdreg $0xA  }
0xc2: {  	_ =	task.clear_ibuf [dreg:s22], $0x6FFFF;
	_ =	strace $0x90000049  }
0xc3: {  	s29 =	simm.s32 $0xA;
	_ =	strace $0x8000004B  }
0xc4: {  	_ =	swait.ge [sflag:s29], $0x1  }
0xc5: {  	[sflag:s29] =	ssyncadd.s32 $0xFFFFFFFF  }
0xc6: {  	_ =	strace $0x9000004B  }
0xc7: {  	_ =	sfence  }
0xc8: {  	s30 =	sld [smem:$0x0];
	_ =	sdelay $0x2  }
0xc9: {  	s31 =	sshll.u32 s1, $0xD;
	s1 =	sshrl.u32 s1, $0x2  }
0xca: {  	s4 =	sand.u32 $0x4000, s31;
	s1 =	sadd.s32 s1, s30  }
0xcb: {  	s0 =	sor.u32 s4, s0;
	s1 =	sshll.u32 s1, $0x11  }
0xcc: {  	s0 =	sor.u32 s1, s0  }
0xcd: {  	s0 =	sadd.s32 $0x8F2B, s0  }
0xce: {  	[sflag:s0] =	ssyncadd.remote.s32 $0x1  }
0xcf: {  	_ =	sfence.sel $0xFFFF  }
0xd0: {  	[dreg:$0x0] =	wrdreg $0xFFFFFFFF;
	(pc) =	sbr.abs _section_cstart, $3  }
0xd1: {  	[dreg:$0x1] =	wrdreg $0xFFFFFFFF  }
0xd2: {  	_ =	task.clear_ibuf [dreg:s22], $0x2FFFF;
	_ =	strace $0x9FFFFFFF  }
0xd3: {  	(tm) =	ssettm $0x7FFFFFFF  }
tec
execute0_lowered:
.L_overlay_start_1:
0x0: {  	(tag) =	ssettag $0x1  }
0x1: {  	s2 =	rddreg [dreg:$0x0]  }
0x2: {  	s8 =	rddreg [dreg:$0x1];
	s0 =	srdreg.scid  }
0x3: {  	s11 =	rddreg [dreg:$0x2];
	s1 =	stileid.u32;
	s5 =	simm.s32 $0x1  }
0x4: {  	s6 =	simm.s32 $0x2;
	s10 =	simm.s32 $0x3;
	s13 =	simm.s32 $0x0  }
0x5: {  	s15 =	simm.s32 $0x0;
	s3 =	sshll.u32 s0, $0x9;
	s0 =	rddreg [dreg:$0x3]  }
0x6: {  	s4 =	sshll.u32 s1, $0xA;
	_ =	strace $0x8000004A;
	s3 =	sand.u32 $0x200, s3  }
0x7: {  	s14 =	simm.s32 $0x0;
	[sflag:s5] =	ssyncpa.u1 $0x0;
	s3 =	sor.u32 s4, s3  }
0x8: {  	s4 =	sadd.s32 $0x13400, s11;
	[sflag:s6] =	ssyncpa.u1 $0x0;
	s7 =	ssub.s32 $0x4000, s3  }
.Ltmp0:
0x9: {  	[sflag:s10] =	ssyncpa.u1 $0x0;
	s9 =	sand.u32 $0x3E00, s7;
	(pc) =	sbr.rel .LBB2_1-.Ltmp0, $4  }
0xa: {  	s31 =	sshrl.u32 s3, $0x3;
	p0 =	sne.s32 s9, $0x0;
	s9 =	simm.s32 $0x1  }
0xb: {  	s10 =	sadd.s32 $0x1B400, s11;
	s7 =	sshrl.u32 s7, $0xE;
	s9 =	simm.s32 @!p0 $0x0  }
0xc: {  	s8 =	sadd.s32 s8, s31;
	p0 =	por $0x0, $0x0;
	s7 =	sadd.s32 s9, s7  }
0xd: {  	vm0 =	vmmov $0xffff;
	s9 =	sadd.s32 $0x17400, s11;
	s11 =	sadd.s32 $0x1F400, s11;
	s12 =	sadd.s32 $0x1, s7  }
.LBB2_4:
0xe: {  	_ =	sdelay $0x3  }
0xf: {  	[tilespmem:s21], [sflag:$0x1] =	stream.indirect_vreg.gather [hbm4b:s2+s13], $0x1, v0, vm0, $0x4038;
	[tilespmem:$0x8400] =	vst v63  }
0x10: {  	s18 =	sshll.u32 s15, $0x3  }
0x11: {  	s24 =	sand.u32 $0x78, s15;
	s18 =	sand.u32 $0x7FFFFC00, s18  }
0x12: {  	_ =	swait.ge [sflag:s5], $0x4000;
	s15 =	sor.u32 s24, s18  }
0x13: {  	[sflag:s5] =	ssyncset.done $0x0;
	s15 =	sshrl.u32 s15, $0x3  }
0x14: {  	[sflag:s5] =	ssyncadd.s32 $0xFFFFC000;
	s25 =	sadd.s32 s4, s15  }
0x15: {  	[hbm:s25] =	stream.linear.scatter [tilespmem:s17], [sflag:$0x3], $0x1000, $0x38;
	[tilespmem:$0x8400] =	vst v63  }
0x16: {  	s26 =	sadd.s32 $0x1400, s16;
	s28 =	sadd.s32 s15, s9  }
0x17: {  	[hbm:s28] =	stream.linear.scatter [tilespmem:s26], [sflag:$0x3], $0x1000, $0x38;
	[tilespmem:$0x8400] =	vst v63  }
0x18: {  	s29 =	sadd.s32 $0x2400, s16;
	s30 =	sadd.s32 s15, s10  }
0x19: {  	[hbm:s30] =	stream.linear.scatter [tilespmem:s29], [sflag:$0x3], $0x1000, $0x38;
	[tilespmem:$0x8400] =	vst v63  }
0x1a: {  	s31 =	sadd.s32 $0x3400, s16;
	s15 =	sadd.s32 s15, s11  }
0x1b: {  	[hbm:s15] =	stream.linear.scatter [tilespmem:s31], [sflag:$0x3], $0x1000, $0x38;
	[tilespmem:$0x8400] =	vst v63  }
.LBB2_5:
0x1c: {  	p2 =	sne.s32 s14, s12  }
.Ltmp1:
0x1d: {  	p1 =	slt.u32 s14, $0x2;
	(pc) =	sbr.rel @!p2 .LBB2_6-.Ltmp1, $4  }
0x1e: {  	s15 =	simm.s32 @!p1 $0x3  }
0x1f: {  	_ =	swait.ge @!p1 [sflag:s15], $0x4000  }
0x20: {  	s16 =	sadd.s32 $0x1, s14;
	p0 =	por !p0, !p0;
	[sflag:s15] =	ssyncset.done @!p1 $0x0  }
0x21: {  	s14 =	smov.u32 s16;
	[sflag:s15] =	ssyncadd.s32 @!p1 $0xFFFFC000;
	s15 =	smov.u32 s3  }
.LBB2_1:
0x22: {  	p1 =	sge.u32 s14, s7  }
0x23: {  	s16 =	sxor.u32 @!p1 $0xFFFFFFFF, s14  }
0x24: {  	s16 =	sshll.u32 @!p1 s16, $0x9  }
0x25: {  	s31 =	sadd.s32 $0xFFFFFFFF, s14;
	s17 =	simm.s32 @!p1 $0x0;
	s16 =	sand.u32 @!p1 $0x200, s16  }
0x26: {  	[tilespmem:s16], [sflag:$0x2] =	stream.linear.gather @!p1 [hbm4b:s8+s17], $0x200, $0x38;
	[tilespmem:$0x8400] =	vst v63  }
0x27: {  	p1 =	sge.u32 s31, s7  }
.Ltmp2:
0x28: {  	_ = 	snop;
	(pc) =	sbr.rel @p1 .LBB2_5-.Ltmp2, $1  }
0x29: {  	_ =	sdelay $0x3  }
0x2a: {  	s16 =	simm.s32 $0x1;
	_ =	swait.ge [sflag:s6], $0x200  }
0x2b: {  	s16 =	simm.s32 @!p0 $0x0;
	[sflag:s6] =	ssyncset.done $0x0  }
0x2c: {  	s19 =	sshll.u32 s16, $0x9;
	[sflag:s6] =	ssyncadd.s32 $0xFFFFFE00  }
0x2d: {  	v0 =	vld.msk [tilespmem:s19+$0x0 ss:$0x1], $0xffff;
	_ =	sdelay $0x4  }
0x2e: {  	vm1 =	vgt.s32 v0, $0x0  }
0x2f: {  	v0 =	vnsel vm1, $0x0, v0  }
0x30: {  	v0 =	vmin.u32 v0, $0xF4240  }
0x31: {  	v1 =	vshll.u32 v0, $0x3  }
0x32: {  	v0 =	vand.u32 $0x7F, v0;
	v1 =	vand.u32 $0x7FFC00, v1  }
0x33: {  	s22 =	sshll.u32 s14, $0xE;
	v0 =	vor.u32 v0, v1  }
0x34: {  	s18 =	simm.s32 $0x0;
	s16 =	sand.u32 $0x4000, s22  }
0x35: {  	s20 =	sand.u32 $0xC00, s18;
	s17 =	sor.u32 $0x400, s16  }
0x36: {  	s21 =	sand.u32 $0x70, s18;
	(ifvalue) =	ssetifvalue $0x7FFFFFFF;
	s20 =	sadd.s32 s20, s17;
	v1 =	vor.u32 $0x80, v0  }
0x37: {  	(ifvalue) =	ssetifvalue $0x7FFFFFFF;
	s20 =	sadd.s32 s21, s20  }
0x38: {  	[tilespmem:s20], [sflag:$0x1] =	stream.indirect_vreg.gather [hbm4b:s2+s13], $0x1, v0, vm0, $0x4038;
	[tilespmem:$0x8400] =	vst v63  }
0x39: {  	v2 =	vor.u32 $0x100, v0;
	(ifvalue) =	ssetifvalue $0x7FFFFFFF  }
0x3a: {  	s21 =	sadd.s32 $0x80, s20;
	(ifvalue) =	ssetifvalue $0x7FFFFFFF  }
0x3b: {  	[tilespmem:s21], [sflag:$0x1] =	stream.indirect_vreg.gather [hbm4b:s2+s13], $0x1, v1, vm0, $0x4038;
	[tilespmem:$0x8400] =	vst v63  }
0x3c: {  	v1 =	vor.u32 $0x180, v0;
	(ifvalue) =	ssetifvalue $0x7FFFFFFF  }
0x3d: {  	s23 =	sadd.s32 $0x100, s20;
	(ifvalue) =	ssetifvalue $0x7FFFFFFF  }
0x3e: {  	[tilespmem:s23], [sflag:$0x1] =	stream.indirect_vreg.gather [hbm4b:s2+s13], $0x1, v2, vm0, $0x4038;
	[tilespmem:$0x8400] =	vst v63  }
0x3f: {  	v2 =	vor.u32 $0x200, v0;
	(ifvalue) =	ssetifvalue $0x7FFFFFFF  }
0x40: {  	s24 =	sadd.s32 $0x180, s20;
	(ifvalue) =	ssetifvalue $0x7FFFFFFF  }
0x41: {  	[tilespmem:s24], [sflag:$0x1] =	stream.indirect_vreg.gather [hbm4b:s2+s13], $0x1, v1, vm0, $0x4038;
	[tilespmem:$0x8400] =	vst v63  }
0x42: {  	(ifvalue) =	ssetifvalue $0x7FFFFFFF;
	v1 =	vor.u32 $0x280, v0  }
0x43: {  	s25 =	sadd.s32 $0x200, s20;
	(ifvalue) =	ssetifvalue $0x7FFFFFFF  }
0x44: {  	[tilespmem:s25], [sflag:$0x1] =	stream.indirect_vreg.gather [hbm4b:s2+s13], $0x1, v2, vm0, $0x4038;
	[tilespmem:$0x8400] =	vst v63  }
0x45: {  	(ifvalue) =	ssetifvalue $0x7FFFFFFF;
	v2 =	vor.u32 $0x300, v0  }
0x46: {  	s26 =	sadd.s32 $0x280, s20;
	(ifvalue) =	ssetifvalue $0x7FFFFFFF  }
0x47: {  	[tilespmem:s26], [sflag:$0x1] =	stream.indirect_vreg.gather [hbm4b:s2+s13], $0x1, v1, vm0, $0x4038;
	[tilespmem:$0x8400] =	vst v63  }
0x48: {  	(ifvalue) =	ssetifvalue $0x7FFFFFFF;
	v1 =	vor.u32 $0x380, v0  }
0x49: {  	s18 =	sor.u32 s18, s18;
	s28 =	sadd.s32 $0x300, s20;
	(ifvalue) =	ssetifvalue $0x7FFFFFFF  }
0x4a: {  	[tilespmem:s28], [sflag:$0x1] =	stream.indirect_vreg.gather [hbm4b:s2+s13], $0x1, v2, vm0, $0x4038;
	[tilespmem:$0x8400] =	vst v63  }
0x4b: {  	s18 =	sor.u32 $0x380, s18;
	(ifvalue) =	ssetifvalue $0x7FFFFFFF;
	v2 =	vadd.s32 $0x7A1400, v0  }
0x4c: {  	s18 =	sadd.s32 s18, s17;
	(ifvalue) =	ssetifvalue $0x7FFFFFFF  }
0x4d: {  	[tilespmem:s18], [sflag:$0x1] =	stream.indirect_vreg.gather [hbm4b:s2+s13], $0x1, v1, vm0, $0x4038;
	[tilespmem:$0x8400] =	vst v63  }
0x4e: {  	(ifvalue) =	ssetifvalue $0x7FFFFFFF;
	v1 =	vadd.s32 $0x7A1480, v0  }
0x4f: {  	s29 =	sadd.s32 $0x1000, s20;
	(ifvalue) =	ssetifvalue $0x7FFFFFFF  }
0x50: {  	[tilespmem:s29], [sflag:$0x1] =	stream.indirect_vreg.gather [hbm4b:s2+s13], $0x1, v2, vm0, $0x4038;
	[tilespmem:$0x8400] =	vst v63  }
0x51: {  	(ifvalue) =	ssetifvalue $0x7FFFFFFF;
	v2 =	vadd.s32 $0x7A1500, v0  }
0x52: {  	s30 =	sadd.s32 $0x1080, s20;
	(ifvalue) =	ssetifvalue $0x7FFFFFFF  }
0x53: {  	[tilespmem:s30], [sflag:$0x1] =	stream.indirect_vreg.gather [hbm4b:s2+s13], $0x1, v1, vm0, $0x4038;
	[tilespmem:$0x8400] =	vst v63  }
0x54: {  	(ifvalue) =	ssetifvalue $0x7FFFFFFF;
	v1 =	vadd.s32 $0x7A1580, v0  }
0x55: {  	s31 =	sadd.s32 $0x1100, s20;
	(ifvalue) =	ssetifvalue $0x7FFFFFFF  }
0x56: {  	[tilespmem:s31], [sflag:$0x1] =	stream.indirect_vreg.gather [hbm4b:s2+s13], $0x1, v2, vm0, $0x4038;
	[tilespmem:$0x8400] =	vst v63  }
0x57: {  	(ifvalue) =	ssetifvalue $0x7FFFFFFF;
	v2 =	vadd.s32 $0x7A1600, v0  }
0x58: {  	s21 =	sadd.s32 $0x1180, s20;
	(ifvalue) =	ssetifvalue $0x7FFFFFFF  }
0x59: {  	[tilespmem:s21], [sflag:$0x1] =	stream.indirect_vreg.gather [hbm4b:s2+s13], $0x1, v1, vm0, $0x4038;
	[tilespmem:$0x8400] =	vst v63  }
0x5a: {  	(ifvalue) =	ssetifvalue $0x7FFFFFFF;
	v1 =	vadd.s32 $0x7A1680, v0  }
0x5b: {  	s22 =	sadd.s32 $0x1200, s20;
	(ifvalue) =	ssetifvalue $0x7FFFFFFF  }
0x5c: {  	[tilespmem:s22], [sflag:$0x1] =	stream.indirect_vreg.gather [hbm4b:s2+s13], $0x1, v2, vm0, $0x4038;
	[tilespmem:$0x8400] =	vst v63  }
0x5d: {  	(ifvalue) =	ssetifvalue $0x7FFFFFFF;
	v2 =	vadd.s32 $0x7A1700, v0  }
0x5e: {  	s23 =	sadd.s32 $0x1280, s20;
	(ifvalue) =	ssetifvalue $0x7FFFFFFF  }
0x5f: {  	[tilespmem:s23], [sflag:$0x1] =	stream.indirect_vreg.gather [hbm4b:s2+s13], $0x1, v1, vm0, $0x4038;
	[tilespmem:$0x8400] =	vst v63  }
0x60: {  	(ifvalue) =	ssetifvalue $0x7FFFFFFF;
	v1 =	vadd.s32 $0x7A1780, v0  }
0x61: {  	s24 =	sadd.s32 $0x1300, s20;
	(ifvalue) =	ssetifvalue $0x7FFFFFFF  }
0x62: {  	[tilespmem:s24], [sflag:$0x1] =	stream.indirect_vreg.gather [hbm4b:s2+s13], $0x1, v2, vm0, $0x4038;
	[tilespmem:$0x8400] =	vst v63  }
0x63: {  	(ifvalue) =	ssetifvalue $0x7FFFFFFF;
	v2 =	vadd.s32 $0xF42800, v0  }
0x64: {  	s25 =	sadd.s32 $0x1380, s20;
	(ifvalue) =	ssetifvalue $0x7FFFFFFF  }
0x65: {  	[tilespmem:s25], [sflag:$0x1] =	stream.indirect_vreg.gather [hbm4b:s2+s13], $0x1, v1, vm0, $0x4038;
	[tilespmem:$0x8400] =	vst v63  }
0x66: {  	(ifvalue) =	ssetifvalue $0x7FFFFFFF;
	v1 =	vadd.s32 $0xF42880, v0  }
0x67: {  	s26 =	sadd.s32 $0x2000, s20;
	(ifvalue) =	ssetifvalue $0x7FFFFFFF  }
0x68: {  	[tilespmem:s26], [sflag:$0x1] =	stream.indirect_vreg.gather [hbm4b:s2+s13], $0x1, v2, vm0, $0x4038;
	[tilespmem:$0x8400] =	vst v63  }
0x69: {  	(ifvalue) =	ssetifvalue $0x7FFFFFFF;
	v2 =	vadd.s32 $0xF42900, v0  }
0x6a: {  	s28 =	sadd.s32 $0x2080, s20;
	(ifvalue) =	ssetifvalue $0x7FFFFFFF  }
0x6b: {  	[tilespmem:s28], [sflag:$0x1] =	stream.indirect_vreg.gather [hbm4b:s2+s13], $0x1, v1, vm0, $0x4038;
	[tilespmem:$0x8400] =	vst v63  }
0x6c: {  	(ifvalue) =	ssetifvalue $0x7FFFFFFF;
	v1 =	vadd.s32 $0xF42980, v0  }
0x6d: {  	s29 =	sadd.s32 $0x2100, s20;
	(ifvalue) =	ssetifvalue $0x7FFFFFFF  }
0x6e: {  	[tilespmem:s29], [sflag:$0x1] =	stream.indirect_vreg.gather [hbm4b:s2+s13], $0x1, v2, vm0, $0x4038;
	[tilespmem:$0x8400] =	vst v63  }
0x6f: {  	(ifvalue) =	ssetifvalue $0x7FFFFFFF;
	v2 =	vadd.s32 $0xF42A00, v0  }
0x70: {  	s30 =	sadd.s32 $0x2180, s20;
	(ifvalue) =	ssetifvalue $0x7FFFFFFF  }
0x71: {  	[tilespmem:s30], [sflag:$0x1] =	stream.indirect_vreg.gather [hbm4b:s2+s13], $0x1, v1, vm0, $0x4038;
	[tilespmem:$0x8400] =	vst v63  }
0x72: {  	(ifvalue) =	ssetifvalue $0x7FFFFFFF;
	v1 =	vadd.s32 $0xF42A80, v0  }
0x73: {  	s31 =	sadd.s32 $0x2200, s20;
	(ifvalue) =	ssetifvalue $0x7FFFFFFF  }
0x74: {  	[tilespmem:s31], [sflag:$0x1] =	stream.indirect_vreg.gather [hbm4b:s2+s13], $0x1, v2, vm0, $0x4038;
	[tilespmem:$0x8400] =	vst v63  }
0x75: {  	(ifvalue) =	ssetifvalue $0x7FFFFFFF;
	v2 =	vadd.s32 $0xF42B00, v0  }
0x76: {  	s21 =	sadd.s32 $0x2280, s20;
	(ifvalue) =	ssetifvalue $0x7FFFFFFF  }
0x77: {  	[tilespmem:s21], [sflag:$0x1] =	stream.indirect_vreg.gather [hbm4b:s2+s13], $0x1, v1, vm0, $0x4038;
	[tilespmem:$0x8400] =	vst v63  }
0x78: {  	(ifvalue) =	ssetifvalue $0x7FFFFFFF;
	v1 =	vadd.s32 $0xF42B80, v0  }
0x79: {  	s22 =	sadd.s32 $0x2300, s20;
	(ifvalue) =	ssetifvalue $0x7FFFFFFF  }
0x7a: {  	[tilespmem:s22], [sflag:$0x1] =	stream.indirect_vreg.gather [hbm4b:s2+s13], $0x1, v2, vm0, $0x4038;
	[tilespmem:$0x8400] =	vst v63  }
0x7b: {  	(ifvalue) =	ssetifvalue $0x7FFFFFFF;
	v2 =	vadd.s32 $0x16E3C00, v0  }
0x7c: {  	s23 =	sadd.s32 $0x2380, s20;
	(ifvalue) =	ssetifvalue $0x7FFFFFFF  }
0x7d: {  	[tilespmem:s23], [sflag:$0x1] =	stream.indirect_vreg.gather [hbm4b:s2+s13], $0x1, v1, vm0, $0x4038;
	[tilespmem:$0x8400] =	vst v63  }
0x7e: {  	(ifvalue) =	ssetifvalue $0x7FFFFFFF;
	v1 =	vadd.s32 $0x16E3C80, v0  }
0x7f: {  	s24 =	sadd.s32 $0x3000, s20;
	(ifvalue) =	ssetifvalue $0x7FFFFFFF  }
0x80: {  	[tilespmem:s24], [sflag:$0x1] =	stream.indirect_vreg.gather [hbm4b:s2+s13], $0x1, v2, vm0, $0x4038;
	[tilespmem:$0x8400] =	vst v63  }
0x81: {  	(ifvalue) =	ssetifvalue $0x7FFFFFFF;
	v2 =	vadd.s32 $0x16E3D00, v0  }
0x82: {  	s25 =	sadd.s32 $0x3080, s20;
	(ifvalue) =	ssetifvalue $0x7FFFFFFF  }
0x83: {  	[tilespmem:s25], [sflag:$0x1] =	stream.indirect_vreg.gather [hbm4b:s2+s13], $0x1, v1, vm0, $0x4038;
	[tilespmem:$0x8400] =	vst v63  }
0x84: {  	(ifvalue) =	ssetifvalue $0x7FFFFFFF;
	v1 =	vadd.s32 $0x16E3D80, v0  }
0x85: {  	s26 =	sadd.s32 $0x3100, s20;
	(ifvalue) =	ssetifvalue $0x7FFFFFFF  }
0x86: {  	[tilespmem:s26], [sflag:$0x1] =	stream.indirect_vreg.gather [hbm4b:s2+s13], $0x1, v2, vm0, $0x4038;
	[tilespmem:$0x8400] =	vst v63  }
0x87: {  	(ifvalue) =	ssetifvalue $0x7FFFFFFF;
	v2 =	vadd.s32 $0x16E3E00, v0  }
0x88: {  	s28 =	sadd.s32 $0x3180, s20;
	(ifvalue) =	ssetifvalue $0x7FFFFFFF  }
0x89: {  	[tilespmem:s28], [sflag:$0x1] =	stream.indirect_vreg.gather [hbm4b:s2+s13], $0x1, v1, vm0, $0x4038;
	[tilespmem:$0x8400] =	vst v63  }
0x8a: {  	(ifvalue) =	ssetifvalue $0x7FFFFFFF;
	v1 =	vadd.s32 $0x16E3E80, v0  }
0x8b: {  	s29 =	sadd.s32 $0x3200, s20;
	(ifvalue) =	ssetifvalue $0x7FFFFFFF  }
0x8c: {  	[tilespmem:s29], [sflag:$0x1] =	stream.indirect_vreg.gather [hbm4b:s2+s13], $0x1, v2, vm0, $0x4038;
	[tilespmem:$0x8400] =	vst v63  }
0x8d: {  	(ifvalue) =	ssetifvalue $0x7FFFFFFF;
	v2 =	vadd.s32 $0x16E3F00, v0  }
0x8e: {  	s30 =	sadd.s32 $0x3280, s20;
	(ifvalue) =	ssetifvalue $0x7FFFFFFF  }
0x8f: {  	[tilespmem:s30], [sflag:$0x1] =	stream.indirect_vreg.gather [hbm4b:s2+s13], $0x1, v1, vm0, $0x4038;
	[tilespmem:$0x8400] =	vst v63  }
0x90: {  	v0 =	vadd.s32 $0x16E3F80, v0;
	(ifvalue) =	ssetifvalue $0x7FFFFFFF  }
0x91: {  	s31 =	sadd.s32 $0x3300, s20;
	(ifvalue) =	ssetifvalue $0x7FFFFFFF  }
0x92: {  	[tilespmem:s31], [sflag:$0x1] =	stream.indirect_vreg.gather [hbm4b:s2+s13], $0x1, v2, vm0, $0x4038;
	[tilespmem:$0x8400] =	vst v63  }
0x93: {  	s19 =	sadd.s32 $0x10, s19;
	s18 =	simm.s32 $0x10;
	(ifvalue) =	ssetifvalue $0x7FFFFFFF  }
0x94: {  	s21 =	sadd.s32 $0x3380, s20;
	s20 =	simm.s32 $0x80;
	(ifvalue) =	ssetifvalue $0x7FFFFFFF  }
.LBB2_3:
0x95: {  	[tilespmem:s21], [sflag:$0x1] =	stream.indirect_vreg.gather [hbm4b:s2+s13], $0x1, v0, vm0, $0x4038;
	[tilespmem:$0x8400] =	vst v63  }
0x96: {  	p1 =	sne.s32 s18, $0x1F0;
	s22 =	smov.u32 s18;
	s18 =	sadd.s32 $0x10, s18;
	v0 =	vld.msk [tilespmem:s19+$0x0 ss:$0x1], $0xffff  }
0x97: {  	(ifvalue) =	ssetifvalue $0x7FFFFFFF;
	_ =	sdelay $0x4  }
0x98: {  	vm1 =	vgt.s32 v0, $0x0  }
0x99: {  	v0 =	vnsel vm1, $0x0, v0  }
0x9a: {  	v0 =	vmin.u32 v0, $0xF4240  }
0x9b: {  	v1 =	vshll.u32 v0, $0x3  }
0x9c: {  	v0 =	vand.u32 $0x7F, v0;
	v1 =	vand.u32 $0x7FFC00, v1  }
0x9d: {  	v0 =	vor.u32 v0, v1;
	_ =	sdelay $0x1  }
0x9e: {  	s21 =	sand.u32 $0xC00, s20  }
0x9f: {  	s23 =	sand.u32 $0x70, s22;
	s21 =	sadd.s32 s21, s17;
	v1 =	vor.u32 $0x80, v0  }
0xa0: {  	s21 =	sadd.s32 s23, s21;
	(ifvalue) =	ssetifvalue $0x7FFFFFFF  }
0xa1: {  	[tilespmem:s21], [sflag:$0x1] =	stream.indirect_vreg.gather [hbm4b:s2+s13], $0x1, v0, vm0, $0x4038;
	[tilespmem:$0x8400] =	vst v63  }
0xa2: {  	v2 =	vor.u32 $0x100, v0;
	(ifvalue) =	ssetifvalue $0x7FFFFFFF  }
0xa3: {  	s23 =	sadd.s32 $0x80, s21;
	(ifvalue) =	ssetifvalue $0x7FFFFFFF  }
0xa4: {  	[tilespmem:s23], [sflag:$0x1] =	stream.indirect_vreg.gather [hbm4b:s2+s13], $0x1, v1, vm0, $0x4038;
	[tilespmem:$0x8400] =	vst v63  }
0xa5: {  	v1 =	vor.u32 $0x180, v0;
	(ifvalue) =	ssetifvalue $0x7FFFFFFF  }
0xa6: {  	s23 =	sadd.s32 $0x100, s21;
	(ifvalue) =	ssetifvalue $0x7FFFFFFF  }
0xa7: {  	[tilespmem:s23], [sflag:$0x1] =	stream.indirect_vreg.gather [hbm4b:s2+s13], $0x1, v2, vm0, $0x4038;
	[tilespmem:$0x8400] =	vst v63  }
0xa8: {  	v2 =	vor.u32 $0x200, v0;
	(ifvalue) =	ssetifvalue $0x7FFFFFFF  }
0xa9: {  	s23 =	sadd.s32 $0x180, s21;
	(ifvalue) =	ssetifvalue $0x7FFFFFFF  }
0xaa: {  	[tilespmem:s23], [sflag:$0x1] =	stream.indirect_vreg.gather [hbm4b:s2+s13], $0x1, v1, vm0, $0x4038;
	[tilespmem:$0x8400] =	vst v63  }
0xab: {  	v1 =	vor.u32 $0x280, v0;
	(ifvalue) =	ssetifvalue $0x7FFFFFFF  }
0xac: {  	s23 =	sadd.s32 $0x200, s21;
	(ifvalue) =	ssetifvalue $0x7FFFFFFF  }
0xad: {  	[tilespmem:s23], [sflag:$0x1] =	stream.indirect_vreg.gather [hbm4b:s2+s13], $0x1, v2, vm0, $0x4038;
	[tilespmem:$0x8400] =	vst v63  }
0xae: {  	v2 =	vor.u32 $0x300, v0;
	(ifvalue) =	ssetifvalue $0x7FFFFFFF  }
0xaf: {  	s23 =	sadd.s32 $0x280, s21;
	(ifvalue) =	ssetifvalue $0x7FFFFFFF  }
0xb0: {  	[tilespmem:s23], [sflag:$0x1] =	stream.indirect_vreg.gather [hbm4b:s2+s13], $0x1, v1, vm0, $0x4038;
	[tilespmem:$0x8400] =	vst v63  }
0xb1: {  	v1 =	vor.u32 $0x380, v0;
	(ifvalue) =	ssetifvalue $0x7FFFFFFF  }
0xb2: {  	s22 =	sor.u32 s20, s22;
	s23 =	sadd.s32 $0x300, s21;
	(ifvalue) =	ssetifvalue $0x7FFFFFFF  }
0xb3: {  	[tilespmem:s23], [sflag:$0x1] =	stream.indirect_vreg.gather [hbm4b:s2+s13], $0x1, v2, vm0, $0x4038;
	[tilespmem:$0x8400] =	vst v63  }
0xb4: {  	s22 =	sor.u32 $0x380, s22;
	v2 =	vadd.s32 $0x7A1400, v0;
	(ifvalue) =	ssetifvalue $0x7FFFFFFF  }
0xb5: {  	s22 =	sadd.s32 s22, s17;
	(ifvalue) =	ssetifvalue $0x7FFFFFFF  }
0xb6: {  	[tilespmem:s22], [sflag:$0x1] =	stream.indirect_vreg.gather [hbm4b:s2+s13], $0x1, v1, vm0, $0x4038;
	[tilespmem:$0x8400] =	vst v63  }
0xb7: {  	v1 =	vadd.s32 $0x7A1480, v0;
	(ifvalue) =	ssetifvalue $0x7FFFFFFF  }
0xb8: {  	s22 =	sadd.s32 $0x1000, s21;
	(ifvalue) =	ssetifvalue $0x7FFFFFFF  }
0xb9: {  	[tilespmem:s22], [sflag:$0x1] =	stream.indirect_vreg.gather [hbm4b:s2+s13], $0x1, v2, vm0, $0x4038;
	[tilespmem:$0x8400] =	vst v63  }
0xba: {  	v2 =	vadd.s32 $0x7A1500, v0;
	(ifvalue) =	ssetifvalue $0x7FFFFFFF  }
0xbb: {  	s22 =	sadd.s32 $0x1080, s21;
	(ifvalue) =	ssetifvalue $0x7FFFFFFF  }
0xbc: {  	[tilespmem:s22], [sflag:$0x1] =	stream.indirect_vreg.gather [hbm4b:s2+s13], $0x1, v1, vm0, $0x4038;
	[tilespmem:$0x8400] =	vst v63  }
0xbd: {  	v1 =	vadd.s32 $0x7A1580, v0;
	(ifvalue) =	ssetifvalue $0x7FFFFFFF  }
0xbe: {  	s22 =	sadd.s32 $0x1100, s21;
	(ifvalue) =	ssetifvalue $0x7FFFFFFF  }
0xbf: {  	[tilespmem:s22], [sflag:$0x1] =	stream.indirect_vreg.gather [hbm4b:s2+s13], $0x1, v2, vm0, $0x4038;
	[tilespmem:$0x8400] =	vst v63  }
0xc0: {  	v2 =	vadd.s32 $0x7A1600, v0;
	(ifvalue) =	ssetifvalue $0x7FFFFFFF  }
0xc1: {  	s22 =	sadd.s32 $0x1180, s21;
	(ifvalue) =	ssetifvalue $0x7FFFFFFF  }
0xc2: {  	[tilespmem:s22], [sflag:$0x1] =	stream.indirect_vreg.gather [hbm4b:s2+s13], $0x1, v1, vm0, $0x4038;
	[tilespmem:$0x8400] =	vst v63  }
0xc3: {  	v1 =	vadd.s32 $0x7A1680, v0;
	(ifvalue) =	ssetifvalue $0x7FFFFFFF  }
0xc4: {  	s22 =	sadd.s32 $0x1200, s21;
	(ifvalue) =	ssetifvalue $0x7FFFFFFF  }
0xc5: {  	[tilespmem:s22], [sflag:$0x1] =	stream.indirect_vreg.gather [hbm4b:s2+s13], $0x1, v2, vm0, $0x4038;
	[tilespmem:$0x8400] =	vst v63  }
0xc6: {  	v2 =	vadd.s32 $0x7A1700, v0;
	(ifvalue) =	ssetifvalue $0x7FFFFFFF  }
0xc7: {  	s22 =	sadd.s32 $0x1280, s21;
	(ifvalue) =	ssetifvalue $0x7FFFFFFF  }
0xc8: {  	[tilespmem:s22], [sflag:$0x1] =	stream.indirect_vreg.gather [hbm4b:s2+s13], $0x1, v1, vm0, $0x4038;
	[tilespmem:$0x8400] =	vst v63  }
0xc9: {  	v1 =	vadd.s32 $0x7A1780, v0;
	(ifvalue) =	ssetifvalue $0x7FFFFFFF  }
0xca: {  	s22 =	sadd.s32 $0x1300, s21;
	(ifvalue) =	ssetifvalue $0x7FFFFFFF  }
0xcb: {  	[tilespmem:s22], [sflag:$0x1] =	stream.indirect_vreg.gather [hbm4b:s2+s13], $0x1, v2, vm0, $0x4038;
	[tilespmem:$0x8400] =	vst v63  }
0xcc: {  	v2 =	vadd.s32 $0xF42800, v0;
	(ifvalue) =	ssetifvalue $0x7FFFFFFF  }
0xcd: {  	s22 =	sadd.s32 $0x1380, s21;
	(ifvalue) =	ssetifvalue $0x7FFFFFFF  }
0xce: {  	[tilespmem:s22], [sflag:$0x1] =	stream.indirect_vreg.gather [hbm4b:s2+s13], $0x1, v1, vm0, $0x4038;
	[tilespmem:$0x8400] =	vst v63  }
0xcf: {  	v1 =	vadd.s32 $0xF42880, v0;
	(ifvalue) =	ssetifvalue $0x7FFFFFFF  }
0xd0: {  	s22 =	sadd.s32 $0x2000, s21;
	(ifvalue) =	ssetifvalue $0x7FFFFFFF  }
0xd1: {  	[tilespmem:s22], [sflag:$0x1] =	stream.indirect_vreg.gather [hbm4b:s2+s13], $0x1, v2, vm0, $0x4038;
	[tilespmem:$0x8400] =	vst v63  }
0xd2: {  	v2 =	vadd.s32 $0xF42900, v0;
	(ifvalue) =	ssetifvalue $0x7FFFFFFF  }
0xd3: {  	s22 =	sadd.s32 $0x2080, s21;
	(ifvalue) =	ssetifvalue $0x7FFFFFFF  }
0xd4: {  	[tilespmem:s22], [sflag:$0x1] =	stream.indirect_vreg.gather [hbm4b:s2+s13], $0x1, v1, vm0, $0x4038;
	[tilespmem:$0x8400] =	vst v63  }
0xd5: {  	v1 =	vadd.s32 $0xF42980, v0;
	(ifvalue) =	ssetifvalue $0x7FFFFFFF  }
0xd6: {  	s22 =	sadd.s32 $0x2100, s21;
	(ifvalue) =	ssetifvalue $0x7FFFFFFF  }
0xd7: {  	[tilespmem:s22], [sflag:$0x1] =	stream.indirect_vreg.gather [hbm4b:s2+s13], $0x1, v2, vm0, $0x4038;
	[tilespmem:$0x8400] =	vst v63  }
0xd8: {  	v2 =	vadd.s32 $0xF42A00, v0;
	(ifvalue) =	ssetifvalue $0x7FFFFFFF  }
0xd9: {  	s22 =	sadd.s32 $0x2180, s21;
	(ifvalue) =	ssetifvalue $0x7FFFFFFF  }
0xda: {  	[tilespmem:s22], [sflag:$0x1] =	stream.indirect_vreg.gather [hbm4b:s2+s13], $0x1, v1, vm0, $0x4038;
	[tilespmem:$0x8400] =	vst v63  }
0xdb: {  	v1 =	vadd.s32 $0xF42A80, v0;
	(ifvalue) =	ssetifvalue $0x7FFFFFFF  }
0xdc: {  	s22 =	sadd.s32 $0x2200, s21;
	(ifvalue) =	ssetifvalue $0x7FFFFFFF  }
0xdd: {  	[tilespmem:s22], [sflag:$0x1] =	stream.indirect_vreg.gather [hbm4b:s2+s13], $0x1, v2, vm0, $0x4038;
	[tilespmem:$0x8400] =	vst v63  }
0xde: {  	v2 =	vadd.s32 $0xF42B00, v0;
	(ifvalue) =	ssetifvalue $0x7FFFFFFF  }
0xdf: {  	s22 =	sadd.s32 $0x2280, s21;
	(ifvalue) =	ssetifvalue $0x7FFFFFFF  }
0xe0: {  	[tilespmem:s22], [sflag:$0x1] =	stream.indirect_vreg.gather [hbm4b:s2+s13], $0x1, v1, vm0, $0x4038;
	[tilespmem:$0x8400] =	vst v63  }
0xe1: {  	v1 =	vadd.s32 $0xF42B80, v0;
	(ifvalue) =	ssetifvalue $0x7FFFFFFF  }
0xe2: {  	s22 =	sadd.s32 $0x2300, s21;
	(ifvalue) =	ssetifvalue $0x7FFFFFFF  }
0xe3: {  	[tilespmem:s22], [sflag:$0x1] =	stream.indirect_vreg.gather [hbm4b:s2+s13], $0x1, v2, vm0, $0x4038;
	[tilespmem:$0x8400] =	vst v63  }
0xe4: {  	v2 =	vadd.s32 $0x16E3C00, v0;
	(ifvalue) =	ssetifvalue $0x7FFFFFFF  }
0xe5: {  	s22 =	sadd.s32 $0x2380, s21;
	(ifvalue) =	ssetifvalue $0x7FFFFFFF  }
0xe6: {  	[tilespmem:s22], [sflag:$0x1] =	stream.indirect_vreg.gather [hbm4b:s2+s13], $0x1, v1, vm0, $0x4038;
	[tilespmem:$0x8400] =	vst v63  }
0xe7: {  	v1 =	vadd.s32 $0x16E3C80, v0;
	(ifvalue) =	ssetifvalue $0x7FFFFFFF  }
0xe8: {  	s22 =	sadd.s32 $0x3000, s21;
	(ifvalue) =	ssetifvalue $0x7FFFFFFF  }
0xe9: {  	[tilespmem:s22], [sflag:$0x1] =	stream.indirect_vreg.gather [hbm4b:s2+s13], $0x1, v2, vm0, $0x4038;
	[tilespmem:$0x8400] =	vst v63  }
0xea: {  	v2 =	vadd.s32 $0x16E3D00, v0;
	(ifvalue) =	ssetifvalue $0x7FFFFFFF  }
0xeb: {  	s22 =	sadd.s32 $0x3080, s21;
	(ifvalue) =	ssetifvalue $0x7FFFFFFF  }
0xec: {  	[tilespmem:s22], [sflag:$0x1] =	stream.indirect_vreg.gather [hbm4b:s2+s13], $0x1, v1, vm0, $0x4038;
	[tilespmem:$0x8400] =	vst v63  }
0xed: {  	v1 =	vadd.s32 $0x16E3D80, v0;
	(ifvalue) =	ssetifvalue $0x7FFFFFFF  }
0xee: {  	s22 =	sadd.s32 $0x3100, s21;
	(ifvalue) =	ssetifvalue $0x7FFFFFFF  }
0xef: {  	[tilespmem:s22], [sflag:$0x1] =	stream.indirect_vreg.gather [hbm4b:s2+s13], $0x1, v2, vm0, $0x4038;
	[tilespmem:$0x8400] =	vst v63  }
0xf0: {  	v2 =	vadd.s32 $0x16E3E00, v0;
	(ifvalue) =	ssetifvalue $0x7FFFFFFF  }
0xf1: {  	s22 =	sadd.s32 $0x3180, s21;
	(ifvalue) =	ssetifvalue $0x7FFFFFFF  }
0xf2: {  	[tilespmem:s22], [sflag:$0x1] =	stream.indirect_vreg.gather [hbm4b:s2+s13], $0x1, v1, vm0, $0x4038;
	[tilespmem:$0x8400] =	vst v63  }
0xf3: {  	v1 =	vadd.s32 $0x16E3E80, v0;
	(ifvalue) =	ssetifvalue $0x7FFFFFFF  }
0xf4: {  	s22 =	sadd.s32 $0x3200, s21;
	(ifvalue) =	ssetifvalue $0x7FFFFFFF  }
0xf5: {  	[tilespmem:s22], [sflag:$0x1] =	stream.indirect_vreg.gather [hbm4b:s2+s13], $0x1, v2, vm0, $0x4038;
	[tilespmem:$0x8400] =	vst v63  }
0xf6: {  	v2 =	vadd.s32 $0x16E3F00, v0;
	(ifvalue) =	ssetifvalue $0x7FFFFFFF  }
0xf7: {  	s22 =	sadd.s32 $0x3280, s21;
	(ifvalue) =	ssetifvalue $0x7FFFFFFF  }
0xf8: {  	[tilespmem:s22], [sflag:$0x1] =	stream.indirect_vreg.gather [hbm4b:s2+s13], $0x1, v1, vm0, $0x4038;
	[tilespmem:$0x8400] =	vst v63  }
.Ltmp3:
0xf9: {  	v0 =	vadd.s32 $0x16E3F80, v0;
	(ifvalue) =	ssetifvalue $0x7FFFFFFF;
	(pc) =	sbr.rel @p1 .LBB2_3-.Ltmp3, $4  }
0xfa: {  	s22 =	sadd.s32 $0x3300, s21;
	(ifvalue) =	ssetifvalue $0x7FFFFFFF  }
0xfb: {  	[tilespmem:s22], [sflag:$0x1] =	stream.indirect_vreg.gather [hbm4b:s2+s13], $0x1, v2, vm0, $0x4038;
	[tilespmem:$0x8400] =	vst v63  }
0xfc: {  	s19 =	sadd.s32 $0x10, s19;
	(ifvalue) =	ssetifvalue $0x7FFFFFFF  }
0xfd: {  	s20 =	sadd.s32 $0x80, s20;
	s21 =	sadd.s32 $0x3380, s21;
	(ifvalue) =	ssetifvalue $0x7FFFFFFF  }
.Ltmp4:
0xfe: {  	_ = 	snop;
	(pc) =	sbr.rel .LBB2_4-.Ltmp4, $1  }
0xff: {  	_ =	sdelay $0x3  }
.LBB2_6:
0x100: {  	_ =	sfence.sel $0x180000  }
0x101: {  	s2 =	simm.s32 $0x2;
	[bflag:$0x0] =	sbarrier.arrive $0xFFFF  }
0x102: {  	s30 =	simm.s32 $0x3;
	[sflag:s2] =	ssyncpa.u1 $0x1  }
0x103: {  	s31 =	simm.s32 $0x1;
	[sflag:s30] =	ssyncpa.u1 $0x1  }
0x104: {  	[sflag:s31] =	ssyncpa.u1 $0x1  }
0x105: {  	p0 =	sne.s32 s1, $0x0;
	_ =	strace $0x9000004A  }
0x106: {  	s0 =	sadd.s32 @!p0 $0x100000, s0;
	[bflag:$0x2] =	sbarrier.arrive $0xFFFF  }
0x107: {  	[sflag:s0] =	ssyncadd.tile.s32 @!p0 $0x1;
	_ =	shalt  }
.Lfunc_end2:
_tile_overlayer_lowered:
.L_overlay_start_2:
0x108: {  	(tag) =	ssettag $0x2  }
0x109: {  	s0 =	rddreg [dreg:$0x0];
	s2 =	stileid.u32  }
0x10a: {  	s1 =	rddreg [dreg:$0x1];
	p0 =	sne.s32 s2, $0x0  }
0x10b: {  	s3 =	rddreg [dreg:$0x2];
	[bflag:$0x3] =	sbarrier.arrive $0xFFFF;
	s2 =	simm.s32 @!p0 $0x1C01  }
0x10c: {  	[timem:s3], [sflag:s2] =	dma.local @!p0 [hbm:s0], s1  }
0x10d: {  	s0 =	simm.s32 @!p0 $0x1  }
0x10e: {  	_ =	swait.ge @!p0 [sflag:s0], s1  }
0x10f: {  	s1 =	ssub.s32 @!p0 $0x0, s1;
	[sflag:s0] =	ssyncset.done @!p0 $0x0  }
0x110: {  	[sflag:s0] =	ssyncadd.s32 @!p0 s1  }
0x111: {  	[bflag:$0x3] =	sbarrier.arrive $0xFFFF  }
0x112: {  	_ =	shalt  }

// kernel: gather_offload_async_start.2
scs
__scs_entry_jumppad:
0x0: {  	(pc) =	sbr.rel $0x88, $3  }
0x1: {  	(tag) =	ssettag $0x0;
	lr =	simm.s32 $0x1  }
0x2: {  	[smem:$0x3F94] =	sst lr;
	_ =	strace $0xD0000000  }
0x3: {  	_ = 	snop  }
0x4: {  	_ = 	snop  }
0x5: {  	_ = 	snop  }
0x6: {  	_ = 	snop  }
0x7: {  	_ = 	snop  }
__scs_overlays_trampoline_lowered:
0x8: {  	[smem:$0x3FA3] =	sst s0  }
0x9: {  	[smem:$0x3FA4] =	sst s1  }
0xa: {  	[smem:$0x3FA5] =	sst s2  }
0xb: {  	[smem:$0x3FA6] =	sst s3  }
0xc: {  	[smem:$0x3FA7] =	sst s4  }
0xd: {  	[smem:$0x3FA8] =	sst s5  }
0xe: {  	[smem:$0x3FA9] =	sst s6  }
0xf: {  	[smem:$0x3FAA] =	sst s7  }
0x10: {  	[smem:$0x3FAB] =	sst s8  }
0x11: {  	[smem:$0x3FAC] =	sst s9;
	s0 =	simm.s32 @!p0 $0x0  }
0x12: {  	s1 =	sld [smem:$0x3F92];
	s0 =	simm.s32 @p0 $0x1  }
0x13: {  	[smem:$0x3FAD] =	sst s0;
	s0 =	simm.s32 @!p1 $0x0  }
0x14: {  	s2 =	sld [smem:$0x3F91];
	s0 =	simm.s32 @p1 $0x1  }
0x15: {  	[smem:$0x3FAE] =	sst s0;
	s0 =	simm.s32 @!p2 $0x0  }
0x16: {  	s3 =	sld [smem:$0x3FDB];
	s0 =	simm.s32 @p2 $0x1  }
0x17: {  	s4 =	simm.s32 $0x1BF5;
	[smem:$0x3FB0] =	sst s0  }
0x18: {  	s0 =	sld [smem:$0x3F93];
	_ =	swait.ge [sflag:s4], $0x0  }
0x19: {  	s7 =	sld [smem:$0x3F94]  }
0x1a: {  	s8 =	sadd.s32 $0xFFFFE003, lr  }
0x1b: {  	s9 =	sadd.s32 $0xFFFFFEF7, lr;
	s5 =	simm.s32 $0xFFFFFFFF;
	p2 =	slt.u32 s8, $0xFFFFF086  }
0x1c: {  	p1 =	slt.u32 s9, $0xF7A;
	s5 =	simm.s32 @!p2 $0x0  }
0x1d: {  	s5 =	simm.s32 @p1 $0x1;
	p0 =	seq.s32 s7, s2  }
0x1e: {  	s7 =	smul.u32 @!p0 $0xF7A, s2;
	p2 =	seq.s32 @!p0 s5, $0x0  }
0x1f: {  	s9 =	smul.u32 $0xF7A, s1;
	s8 =	simm.s32 @!p0 $0x1BF5;
	p2 =	por !p2, p0  }
0x20: {  	[sflag:s8] =	ssyncset.s32 @!p0 $0xFFFFF086;
	s6 =	sadd.s32 @!p0 s3, s7;
	s7 =	simm.s32 @!p0 $0x108  }
0x21: {  	s3 =	sadd.s32 s3, s9;
	s6 =	sadd.s32 @!p0 $0x88, s6;
	s7 =	simm.s32 @p2 $0x1082  }
0x22: {  	[simem:s7], [sflag:s8] =	dma.local @!p0 [hbm:s6], $0xF7A  }
0x23: {  	s9 =	sor.u32 $0xD0000000, s2;
	s6 =	simm.s32 $0x108;
	_ =	swait.ge @!p0 [sflag:s8], $0x0  }
0x24: {  	s3 =	sadd.s32 $0x88, s3;
	s6 =	simm.s32 @!p1 $0x1082;
	[sflag:s4] =	ssyncset.s32 $0xFFFFF086  }
0x25: {  	[simem:s6], [sflag:s4] =	dma.local [hbm:s3], $0xF7A  }
0x26: {  	[smem:$0x3F94] =	sst s1;
	(tag) =	ssettag s2;
	_ =	strace s9  }
0x27: {  	s1 =	sld [smem:$0x3FA4]  }
0x28: {  	s2 =	sld [smem:$0x3FA5]  }
0x29: {  	s4 =	sld [smem:$0x3FA7]  }
0x2a: {  	p0 =	seq.s32 s5, $0x0;
	s5 =	sld [smem:$0x3FA8]  }
0x2b: {  	s6 =	sld [smem:$0x3FA9]  }
0x2c: {  	s7 =	sld [smem:$0x3FAA]  }
0x2d: {  	s3 =	simm.s32 $0x108;
	s8 =	sld [smem:$0x3FAB]  }
0x2e: {  	s3 =	simm.s32 @!p0 $0x1082;
	s9 =	sld [smem:$0x3FAC]  }
0x2f: {  	lr =	sadd.s32 s0, s3;
	s0 =	sld [smem:$0x3FA3]  }
0x30: {  	s3 =	sld [smem:$0x3FA6]  }
0x31: {  	[smem:$0x3FAF] =	sst s10  }
0x32: {  	s10 =	sld [smem:$0x3FAD];
	_ =	sdelay $0x3  }
0x33: {  	p0 =	seq.s32 s10, $0x1;
	s10 =	sld [smem:$0x3FAF];
	_ =	sdelay $0x3  }
0x34: {  	[smem:$0x3FAF] =	sst s10  }
0x35: {  	s10 =	sld [smem:$0x3FAE];
	_ =	sdelay $0x3  }
0x36: {  	p1 =	seq.s32 s10, $0x1;
	s10 =	sld [smem:$0x3FAF];
	_ =	sdelay $0x3  }
0x37: {  	[smem:$0x3FAF] =	sst s10  }
0x38: {  	s10 =	sld [smem:$0x3FB0]  }
0x39: {  	_ = 	snop;
	(pc) =	sbr.ind lr, $3  }
0x3a: {  	_ = 	snop  }
0x3b: {  	_ = 	snop  }
0x3c: {  	p2 =	seq.s32 s10, $0x1;
	s10 =	sld [smem:$0x3FAF]  }
0x3d: {  	_ =	shalt  }
0x3e: {  	_ =	shalt  }
0x3f: {  	_ =	shalt  }
0x40: {  	_ =	shalt  }
0x41: {  	_ =	shalt  }
0x42: {  	_ =	shalt  }
0x43: {  	_ =	shalt  }
0x44: {  	_ =	shalt  }
0x45: {  	_ =	shalt  }
0x46: {  	_ =	shalt  }
0x47: {  	_ =	shalt  }
0x48: {  	_ =	shalt  }
0x49: {  	_ =	shalt  }
0x4a: {  	_ =	shalt  }
0x4b: {  	_ =	shalt  }
0x4c: {  	_ =	shalt  }
0x4d: {  	_ =	shalt  }
0x4e: {  	_ =	shalt  }
0x4f: {  	_ =	shalt  }
0x50: {  	_ =	shalt  }
0x51: {  	_ =	shalt  }
0x52: {  	_ =	shalt  }
0x53: {  	_ =	shalt  }
0x54: {  	_ =	shalt  }
0x55: {  	_ =	shalt  }
0x56: {  	_ =	shalt  }
0x57: {  	_ =	shalt  }
0x58: {  	_ =	shalt  }
0x59: {  	_ =	shalt  }
0x5a: {  	_ =	shalt  }
0x5b: {  	_ =	shalt  }
0x5c: {  	_ =	shalt  }
0x5d: {  	_ =	shalt  }
0x5e: {  	_ =	shalt  }
0x5f: {  	_ =	shalt  }
0x60: {  	_ =	shalt  }
0x61: {  	_ =	shalt  }
0x62: {  	_ =	shalt  }
0x63: {  	_ =	shalt  }
0x64: {  	_ =	shalt  }
0x65: {  	_ =	shalt  }
0x66: {  	_ =	shalt  }
0x67: {  	_ =	shalt  }
0x68: {  	_ =	shalt  }
0x69: {  	_ =	shalt  }
0x6a: {  	_ =	shalt  }
0x6b: {  	_ =	shalt  }
0x6c: {  	_ =	shalt  }
0x6d: {  	_ =	shalt  }
0x6e: {  	_ =	shalt  }
0x6f: {  	_ =	shalt  }
0x70: {  	_ =	shalt  }
0x71: {  	_ =	shalt  }
0x72: {  	_ =	shalt  }
0x73: {  	_ =	shalt  }
0x74: {  	_ =	shalt  }
0x75: {  	_ =	shalt  }
0x76: {  	_ =	shalt  }
0x77: {  	_ =	shalt  }
0x78: {  	_ =	shalt  }
0x79: {  	_ =	shalt  }
0x7a: {  	_ =	shalt  }
0x7b: {  	_ =	shalt  }
0x7c: {  	_ =	shalt  }
0x7d: {  	_ =	shalt  }
0x7e: {  	_ =	shalt  }
0x7f: {  	_ =	shalt  }
0x80: {  	_ =	shalt  }
0x81: {  	_ =	shalt  }
0x82: {  	_ =	shalt  }
0x83: {  	_ =	shalt  }
0x84: {  	_ =	shalt  }
0x85: {  	_ =	shalt  }
0x86: {  	_ =	shalt  }
0x87: {  	_ =	shalt  }
.Lfunc_end0:
.L_simem_size_0:
called_computation.2_lowered:
.L_overlay_start_0:
0x88: {  	s2 =	sld [smem:$0x3FD9]  }
0x89: {  	s3 =	sld [smem:$0x3FFE];
	_ =	sdelay $0x1  }
0x8a: {  	s1 =	srdreg.scid  }
0x8b: {  	s0 =	sand.u32 $0x1, s1  }
0x8c: {  	s17 =	sshll.u32 s0, $0xA;
	s2 =	sadd.s32 s3, s2  }
0x8d: {  	s2 =	sadd.s32 s2, s17  }
0x8e: {  	[smem:$0x3FBB] =	sst s2  }
0x8f: {  	_ = 	snop  }
0x90: {  	s18 =	sld [smem:$0x3FC8];
	(tm) =	ssettm $0x1  }
0x91: {  	s19 =	sld [smem:$0x3FFB];
	_ =	sdelay $0x3  }
0x92: {  	_ =	strace s19  }
0x93: {  	s2 =	sld [smem:$0x3FFC];
	_ =	sdelay $0x3  }
0x94: {  	_ =	strace s2  }
0x95: {  	s2 =	sld [smem:$0x3FFD];
	_ =	sdelay $0x3  }
0x96: {  	_ =	strace s2  }
0x97: {  	_ =	strace $0x8FFFFFFF  }
0x98: {  	s20 =	sld [smem:$0x3FDB];
	_ =	sdelay $0x1  }
0x99: {  	s4 =	simm.s32 $_scs_section_size  }
0x9a: {  	s5 =	simm.s32 $_size__tile_overlayer_lowered;
	s6 =	simm.s32 $_tile_overlayer_lowered  }
0x9b: {  	s7 =	simm.s32 $0x1BFF;
	s21 =	sshll.u32 s6, $0x1;
	s4 =	sadd.s32 s4, s20  }
0x9c: {  	s22 =	simm.s32 $0x0;
	s5 =	sshll.u32 s5, $0x1;
	s6 =	sadd.s32 s21, s4  }
0x9d: {  	[timem:s22], [sflag:s7] =	dma.local [hbm:s6], s5  }
0x9e: {  	_ =	swait.ge [sflag:s7], s5  }
0x9f: {  	s5 =	ssub.s32 $0x0, s5;
	[sflag:s7] =	ssyncset.done $0x0  }
0xa0: {  	[sflag:s7] =	ssyncadd.s32 s5;
	_ =	sdelay $0x1  }
0xa1: {  	s23 =	simm.s32 $0x1B8B  }
0xa2: {  	_ =	swait.ge [sflag:s23], $0x1  }
0xa3: {  	[sflag:s23] =	ssyncset.done $0x0  }
0xa4: {  	[sflag:s23] =	ssyncadd.s32 $0xFFFFFFFF  }
0xa5: {  	s5 =	sld [smem:$0x0]  }
0xa6: {  	s6 =	sand.u32 $0xFFFFFFFE, s1  }
0xa7: {  	p0 =	sne.s32 s1, s6  }
0xa8: {  	s6 =	sshll.u32 @p0 s6, $0xE  }
0xa9: {  	s6 =	sadd.s32 @p0 $0x11B8D, s6;
	s7 =	sshll.u32 @p0 s5, $0x11  }
0xaa: {  	s6 =	sor.u32 @p0 s7, s6  }
0xab: {  	[sflag:s6] =	ssyncadd.remote.s32 @p0 $0x1;
	_ =	sdelay $0x1  }
0xac: {  	s6 =	simm.s32 @p0 $0x1B8D  }
0xad: {  	_ =	swait.eq @p0 [sflag:s6], $0x1  }
0xae: {  	[sflag:s6] =	ssyncadd.s32 @p0 $0xFFFFFFFF  }
0xaf: {  	s7 =	sshll.u32 @!p0 s1, $0xE  }
0xb0: {  	s7 =	sor.u32 @!p0 $0x4000, s7;
	s6 =	simm.s32 @!p0 $0x1B8D  }
0xb1: {  	s5 =	sshll.u32 @!p0 s5, $0x11;
	s7 =	sadd.s32 @!p0 $0x11B8D, s7;
	_ =	swait.eq @!p0 [sflag:s6], $0x1  }
0xb2: {  	s5 =	sor.u32 @!p0 s5, s7;
	[sflag:s6] =	ssyncadd.s32 @!p0 $0xFFFFFFFF  }
0xb3: {  	s25 =	simm.s32 $0x1B8E;
	s24 =	sld [smem:$0x3FFE];
	[sflag:s5] =	ssyncadd.remote.s32 @!p0 $0x1  }
0xb4: {  	s26 =	simm.s32 $execute0_lowered;
	[smem:$0x3FD2] =	sst s25  }
0xb5: {  	s6 =	sshll.u32 s26, $0x1;
	_ =	strace $0x8000004C;
	[dreg:$0x1] =	wrdreg $0xFFFFFFFF  }
0xb6: {  	s28 =	simm.s32 $_size_execute0_lowered;
	s4 =	sadd.s32 s4, s6;
	[dreg:$0x0] =	wrdreg $0x0  }
0xb7: {  	s6 =	sshll.u32 s28, $0x1;
	[dreg:$0x2] =	wrdreg s4  }
0xb8: {  	[dreg:$0x3] =	wrdreg s6  }
0xb9: {  	[dreg:$0x4] =	wrdreg $0xC0  }
0xba: {  	_ =	task [dreg:s22], $0x5FFFF  }
0xbb: {  	[dreg:$0x1] =	wrdreg $0xFFFFFFFF  }
0xbc: {  	[dreg:$0x0] =	wrdreg $0x60  }
0xbd: {  	[dreg:$0x2] =	wrdreg s18  }
0xbe: {  	[dreg:$0x3] =	wrdreg s24  }
0xbf: {  	[dreg:$0x4] =	wrdreg $0xB  }
0xc0: {  	_ =	task.clear_ibuf [dreg:s22], $0x5FFFF;
	_ =	strace $0x9000004C  }
0xc1: {  	s29 =	simm.s32 $0xB;
	_ =	strace $0x8000004E  }
0xc2: {  	_ =	swait.ge [sflag:s29], $0x1  }
0xc3: {  	[sflag:s29] =	ssyncadd.s32 $0xFFFFFFFF  }
0xc4: {  	_ =	strace $0x9000004E  }
0xc5: {  	_ =	sfence  }
0xc6: {  	s30 =	sld [smem:$0x0];
	_ =	sdelay $0x2  }
0xc7: {  	s31 =	sshll.u32 s1, $0xD;
	s1 =	sshrl.u32 s1, $0x2  }
0xc8: {  	s4 =	sand.u32 $0x4000, s31;
	s1 =	sadd.s32 s1, s30  }
0xc9: {  	s0 =	sor.u32 s4, s0;
	s1 =	sshll.u32 s1, $0x11  }
0xca: {  	s0 =	sor.u32 s1, s0  }
0xcb: {  	s0 =	sadd.s32 $0x8F2B, s0  }
0xcc: {  	[sflag:s0] =	ssyncadd.remote.s32 $0x1  }
0xcd: {  	_ =	sfence.sel $0xFFFF  }
0xce: {  	[dreg:$0x0] =	wrdreg $0xFFFFFFFF;
	(pc) =	sbr.abs _section_cstart, $3  }
0xcf: {  	[dreg:$0x1] =	wrdreg $0xFFFFFFFF  }
0xd0: {  	_ =	task.clear_ibuf [dreg:s22], $0x2FFFF;
	_ =	strace $0x9FFFFFFF  }
0xd1: {  	(tm) =	ssettm $0x7FFFFFFF  }
tec
execute0_lowered:
.L_overlay_start_1:
0x0: {  	(tag) =	ssettag $0x1  }
0x1: {  	s1 =	srdreg.scid;
	s2 =	rddreg [dreg:$0x0]  }
0x2: {  	s0 =	stileid.u32;
	s9 =	rddreg [dreg:$0x1]  }
0x3: {  	s5 =	simm.s32 $0x1;
	s6 =	simm.s32 $0x2;
	s1 =	sshll.u32 s1, $0x9  }
0x4: {  	s11 =	simm.s32 $0x3;
	s3 =	sshll.u32 s0, $0xA;
	s1 =	sand.u32 $0x200, s1  }
0x5: {  	s13 =	simm.s32 $0x0;
	s12 =	simm.s32 $0x0;
	s3 =	sor.u32 s3, s1  }
0x6: {  	s1 =	rddreg [dreg:$0x2];
	_ =	strace $0x8000004D;
	s4 =	sshrl.u32 s3, $0x3  }
0x7: {  	s7 =	ssub.s32 $0x4000, s3;
	[sflag:s5] =	ssyncpa.u1 $0x0;
	s8 =	sadd.s32 s4, s9  }
.Ltmp0:
0x8: {  	s4 =	sadd.s32 $0x23400, s9;
	s10 =	sand.u32 $0x3E00, s7;
	(pc) =	sbr.rel .LBB2_1-.Ltmp0, $4  }
0x9: {  	[sflag:s6] =	ssyncpa.u1 $0x0;
	p0 =	sne.s32 s10, $0x0;
	s10 =	simm.s32 $0x1  }
0xa: {  	s7 =	sshrl.u32 s7, $0xE;
	s9 =	sadd.s32 $0x27400, s9;
	s10 =	simm.s32 @!p0 $0x0  }
0xb: {  	[sflag:s11] =	ssyncpa.u1 $0x0;
	s8 =	sadd.s32 $0x2C00, s8;
	s7 =	sadd.s32 s10, s7  }
0xc: {  	vm0 =	vmmov $0xffff;
	s11 =	simm.s32 $0x0;
	p0 =	por $0x0, $0x0;
	s10 =	sadd.s32 $0x1, s7  }
.LBB2_4:
0xd: {  	_ =	sdelay $0x3  }
0xe: {  	[tilespmem:s19], [sflag:$0x1] =	stream.indirect_vreg.gather [hbm4b:s2+s11], $0x1, v0, vm0, $0x4038;
	[tilespmem:$0x4400] =	vst v63  }
0xf: {  	s16 =	sshll.u32 s13, $0x3  }
0x10: {  	s30 =	sand.u32 $0x78, s13;
	s16 =	sand.u32 $0x7FFFFC00, s16  }
0x11: {  	_ =	swait.ge [sflag:s5], $0x2000;
	s13 =	sor.u32 s30, s16  }
0x12: {  	[sflag:s5] =	ssyncset.done $0x0;
	s13 =	sshrl.u32 s13, $0x3  }
0x13: {  	[sflag:s5] =	ssyncadd.s32 $0xFFFFE000;
	s31 =	sadd.s32 s4, s13  }
0x14: {  	[hbm:s31] =	stream.linear.scatter [tilespmem:s15], [sflag:$0x3], $0x1000, $0x38;
	[tilespmem:$0x4400] =	vst v63  }
0x15: {  	s14 =	sadd.s32 $0x1400, s14;
	s13 =	sadd.s32 s13, s9  }
0x16: {  	[hbm:s13] =	stream.linear.scatter [tilespmem:s14], [sflag:$0x3], $0x1000, $0x38;
	[tilespmem:$0x4400] =	vst v63  }
.LBB2_5:
0x17: {  	p2 =	sne.s32 s12, s10  }
.Ltmp1:
0x18: {  	p1 =	slt.u32 s12, $0x2;
	(pc) =	sbr.rel @!p2 .LBB2_6-.Ltmp1, $4  }
0x19: {  	s13 =	simm.s32 @!p1 $0x3  }
0x1a: {  	_ =	swait.ge @!p1 [sflag:s13], $0x2000  }
0x1b: {  	s14 =	sadd.s32 $0x1, s12;
	p0 =	por !p0, !p0;
	[sflag:s13] =	ssyncset.done @!p1 $0x0  }
0x1c: {  	s12 =	smov.u32 s14;
	[sflag:s13] =	ssyncadd.s32 @!p1 $0xFFFFE000;
	s13 =	smov.u32 s3  }
.LBB2_1:
0x1d: {  	p1 =	sge.u32 s12, s7  }
0x1e: {  	s14 =	sxor.u32 @!p1 $0xFFFFFFFF, s12  }
0x1f: {  	s14 =	sshll.u32 @!p1 s14, $0x9  }
0x20: {  	s31 =	sadd.s32 $0xFFFFFFFF, s12;
	s15 =	simm.s32 @!p1 $0x0;
	s14 =	sand.u32 @!p1 $0x200, s14  }
0x21: {  	[tilespmem:s14], [sflag:$0x2] =	stream.linear.gather @!p1 [hbm4b:s8+s15], $0x200, $0x38;
	[tilespmem:$0x4400] =	vst v63  }
0x22: {  	p1 =	sge.u32 s31, s7  }
.Ltmp2:
0x23: {  	_ = 	snop;
	(pc) =	sbr.rel @p1 .LBB2_5-.Ltmp2, $1  }
0x24: {  	_ =	sdelay $0x3  }
0x25: {  	s14 =	simm.s32 $0x1;
	_ =	swait.ge [sflag:s6], $0x200  }
0x26: {  	s14 =	simm.s32 @!p0 $0x0;
	[sflag:s6] =	ssyncset.done $0x0  }
0x27: {  	s17 =	sshll.u32 s14, $0x9;
	[sflag:s6] =	ssyncadd.s32 $0xFFFFFE00  }
0x28: {  	v0 =	vld.msk [tilespmem:s17+$0x0 ss:$0x1], $0xffff;
	_ =	sdelay $0x4  }
0x29: {  	vm1 =	vgt.s32 v0, $0x0  }
0x2a: {  	v0 =	vnsel vm1, $0x0, v0  }
0x2b: {  	v0 =	vmin.u32 v0, $0xF4240  }
0x2c: {  	v1 =	vshll.u32 v0, $0x3  }
0x2d: {  	v0 =	vand.u32 $0x7F, v0;
	v1 =	vand.u32 $0x7FFC00, v1  }
0x2e: {  	s30 =	sshll.u32 s12, $0xD;
	v0 =	vor.u32 v0, v1  }
0x2f: {  	s16 =	simm.s32 $0x0;
	s14 =	sand.u32 $0x2000, s30  }
0x30: {  	s18 =	sand.u32 $0xC00, s16;
	s15 =	sor.u32 $0x400, s14  }
0x31: {  	s19 =	sand.u32 $0x70, s16;
	(ifvalue) =	ssetifvalue $0x7FFFFFFF;
	s18 =	sadd.s32 s18, s15;
	v1 =	vor.u32 $0x80, v0  }
0x32: {  	(ifvalue) =	ssetifvalue $0x7FFFFFFF;
	s18 =	sadd.s32 s19, s18  }
0x33: {  	[tilespmem:s18], [sflag:$0x1] =	stream.indirect_vreg.gather [hbm4b:s2+s11], $0x1, v0, vm0, $0x4038;
	[tilespmem:$0x4400] =	vst v63  }
0x34: {  	v2 =	vor.u32 $0x100, v0;
	(ifvalue) =	ssetifvalue $0x7FFFFFFF  }
0x35: {  	s19 =	sadd.s32 $0x80, s18;
	(ifvalue) =	ssetifvalue $0x7FFFFFFF  }
0x36: {  	[tilespmem:s19], [sflag:$0x1] =	stream.indirect_vreg.gather [hbm4b:s2+s11], $0x1, v1, vm0, $0x4038;
	[tilespmem:$0x4400] =	vst v63  }
0x37: {  	v1 =	vor.u32 $0x180, v0;
	(ifvalue) =	ssetifvalue $0x7FFFFFFF  }
0x38: {  	s31 =	sadd.s32 $0x100, s18;
	(ifvalue) =	ssetifvalue $0x7FFFFFFF  }
0x39: {  	[tilespmem:s31], [sflag:$0x1] =	stream.indirect_vreg.gather [hbm4b:s2+s11], $0x1, v2, vm0, $0x4038;
	[tilespmem:$0x4400] =	vst v63  }
0x3a: {  	v2 =	vor.u32 $0x200, v0;
	(ifvalue) =	ssetifvalue $0x7FFFFFFF  }
0x3b: {  	s20 =	sadd.s32 $0x180, s18;
	(ifvalue) =	ssetifvalue $0x7FFFFFFF  }
0x3c: {  	[tilespmem:s20], [sflag:$0x1] =	stream.indirect_vreg.gather [hbm4b:s2+s11], $0x1, v1, vm0, $0x4038;
	[tilespmem:$0x4400] =	vst v63  }
0x3d: {  	(ifvalue) =	ssetifvalue $0x7FFFFFFF;
	v1 =	vor.u32 $0x280, v0  }
0x3e: {  	s21 =	sadd.s32 $0x200, s18;
	(ifvalue) =	ssetifvalue $0x7FFFFFFF  }
0x3f: {  	[tilespmem:s21], [sflag:$0x1] =	stream.indirect_vreg.gather [hbm4b:s2+s11], $0x1, v2, vm0, $0x4038;
	[tilespmem:$0x4400] =	vst v63  }
0x40: {  	(ifvalue) =	ssetifvalue $0x7FFFFFFF;
	v2 =	vor.u32 $0x300, v0  }
0x41: {  	s22 =	sadd.s32 $0x280, s18;
	(ifvalue) =	ssetifvalue $0x7FFFFFFF  }
0x42: {  	[tilespmem:s22], [sflag:$0x1] =	stream.indirect_vreg.gather [hbm4b:s2+s11], $0x1, v1, vm0, $0x4038;
	[tilespmem:$0x4400] =	vst v63  }
0x43: {  	(ifvalue) =	ssetifvalue $0x7FFFFFFF;
	v1 =	vor.u32 $0x380, v0  }
0x44: {  	s16 =	sor.u32 s16, s16;
	s23 =	sadd.s32 $0x300, s18;
	(ifvalue) =	ssetifvalue $0x7FFFFFFF  }
0x45: {  	[tilespmem:s23], [sflag:$0x1] =	stream.indirect_vreg.gather [hbm4b:s2+s11], $0x1, v2, vm0, $0x4038;
	[tilespmem:$0x4400] =	vst v63  }
0x46: {  	s16 =	sor.u32 $0x380, s16;
	(ifvalue) =	ssetifvalue $0x7FFFFFFF;
	v2 =	vadd.s32 $0x7A1400, v0  }
0x47: {  	s16 =	sadd.s32 s16, s15;
	(ifvalue) =	ssetifvalue $0x7FFFFFFF  }
0x48: {  	[tilespmem:s16], [sflag:$0x1] =	stream.indirect_vreg.gather [hbm4b:s2+s11], $0x1, v1, vm0, $0x4038;
	[tilespmem:$0x4400] =	vst v63  }
0x49: {  	(ifvalue) =	ssetifvalue $0x7FFFFFFF;
	v1 =	vadd.s32 $0x7A1480, v0  }
0x4a: {  	s24 =	sadd.s32 $0x1000, s18;
	(ifvalue) =	ssetifvalue $0x7FFFFFFF  }
0x4b: {  	[tilespmem:s24], [sflag:$0x1] =	stream.indirect_vreg.gather [hbm4b:s2+s11], $0x1, v2, vm0, $0x4038;
	[tilespmem:$0x4400] =	vst v63  }
0x4c: {  	(ifvalue) =	ssetifvalue $0x7FFFFFFF;
	v2 =	vadd.s32 $0x7A1500, v0  }
0x4d: {  	s25 =	sadd.s32 $0x1080, s18;
	(ifvalue) =	ssetifvalue $0x7FFFFFFF  }
0x4e: {  	[tilespmem:s25], [sflag:$0x1] =	stream.indirect_vreg.gather [hbm4b:s2+s11], $0x1, v1, vm0, $0x4038;
	[tilespmem:$0x4400] =	vst v63  }
0x4f: {  	(ifvalue) =	ssetifvalue $0x7FFFFFFF;
	v1 =	vadd.s32 $0x7A1580, v0  }
0x50: {  	s26 =	sadd.s32 $0x1100, s18;
	(ifvalue) =	ssetifvalue $0x7FFFFFFF  }
0x51: {  	[tilespmem:s26], [sflag:$0x1] =	stream.indirect_vreg.gather [hbm4b:s2+s11], $0x1, v2, vm0, $0x4038;
	[tilespmem:$0x4400] =	vst v63  }
0x52: {  	(ifvalue) =	ssetifvalue $0x7FFFFFFF;
	v2 =	vadd.s32 $0x7A1600, v0  }
0x53: {  	s28 =	sadd.s32 $0x1180, s18;
	(ifvalue) =	ssetifvalue $0x7FFFFFFF  }
0x54: {  	[tilespmem:s28], [sflag:$0x1] =	stream.indirect_vreg.gather [hbm4b:s2+s11], $0x1, v1, vm0, $0x4038;
	[tilespmem:$0x4400] =	vst v63  }
0x55: {  	(ifvalue) =	ssetifvalue $0x7FFFFFFF;
	v1 =	vadd.s32 $0x7A1680, v0  }
0x56: {  	s29 =	sadd.s32 $0x1200, s18;
	(ifvalue) =	ssetifvalue $0x7FFFFFFF  }
0x57: {  	[tilespmem:s29], [sflag:$0x1] =	stream.indirect_vreg.gather [hbm4b:s2+s11], $0x1, v2, vm0, $0x4038;
	[tilespmem:$0x4400] =	vst v63  }
0x58: {  	(ifvalue) =	ssetifvalue $0x7FFFFFFF;
	v2 =	vadd.s32 $0x7A1700, v0  }
0x59: {  	s30 =	sadd.s32 $0x1280, s18;
	(ifvalue) =	ssetifvalue $0x7FFFFFFF  }
0x5a: {  	[tilespmem:s30], [sflag:$0x1] =	stream.indirect_vreg.gather [hbm4b:s2+s11], $0x1, v1, vm0, $0x4038;
	[tilespmem:$0x4400] =	vst v63  }
0x5b: {  	v0 =	vadd.s32 $0x7A1780, v0;
	(ifvalue) =	ssetifvalue $0x7FFFFFFF  }
0x5c: {  	s31 =	sadd.s32 $0x1300, s18;
	(ifvalue) =	ssetifvalue $0x7FFFFFFF  }
0x5d: {  	[tilespmem:s31], [sflag:$0x1] =	stream.indirect_vreg.gather [hbm4b:s2+s11], $0x1, v2, vm0, $0x4038;
	[tilespmem:$0x4400] =	vst v63  }
0x5e: {  	s17 =	sadd.s32 $0x10, s17;
	s19 =	sadd.s32 $0x1380, s18;
	(ifvalue) =	ssetifvalue $0x7FFFFFFF  }
0x5f: {  	s18 =	simm.s32 $0x80;
	s16 =	simm.s32 $0x10;
	(ifvalue) =	ssetifvalue $0x7FFFFFFF  }
.LBB2_3:
0x60: {  	[tilespmem:s19], [sflag:$0x1] =	stream.indirect_vreg.gather [hbm4b:s2+s11], $0x1, v0, vm0, $0x4038;
	[tilespmem:$0x4400] =	vst v63  }
0x61: {  	p1 =	sne.s32 s16, $0x1F0;
	s20 =	smov.u32 s16;
	s16 =	sadd.s32 $0x10, s16;
	v0 =	vld.msk [tilespmem:s17+$0x0 ss:$0x1], $0xffff  }
0x62: {  	(ifvalue) =	ssetifvalue $0x7FFFFFFF;
	_ =	sdelay $0x4  }
0x63: {  	vm1 =	vgt.s32 v0, $0x0  }
0x64: {  	v0 =	vnsel vm1, $0x0, v0  }
0x65: {  	v0 =	vmin.u32 v0, $0xF4240  }
0x66: {  	v1 =	vshll.u32 v0, $0x3  }
0x67: {  	v0 =	vand.u32 $0x7F, v0;
	v1 =	vand.u32 $0x7FFC00, v1  }
0x68: {  	v0 =	vor.u32 v0, v1;
	_ =	sdelay $0x1  }
0x69: {  	s19 =	sand.u32 $0xC00, s18  }
0x6a: {  	s21 =	sand.u32 $0x70, s20;
	s19 =	sadd.s32 s19, s15;
	v1 =	vor.u32 $0x80, v0  }
0x6b: {  	s19 =	sadd.s32 s21, s19;
	(ifvalue) =	ssetifvalue $0x7FFFFFFF  }
0x6c: {  	[tilespmem:s19], [sflag:$0x1] =	stream.indirect_vreg.gather [hbm4b:s2+s11], $0x1, v0, vm0, $0x4038;
	[tilespmem:$0x4400] =	vst v63  }
0x6d: {  	v2 =	vor.u32 $0x100, v0;
	(ifvalue) =	ssetifvalue $0x7FFFFFFF  }
0x6e: {  	s21 =	sadd.s32 $0x80, s19;
	(ifvalue) =	ssetifvalue $0x7FFFFFFF  }
0x6f: {  	[tilespmem:s21], [sflag:$0x1] =	stream.indirect_vreg.gather [hbm4b:s2+s11], $0x1, v1, vm0, $0x4038;
	[tilespmem:$0x4400] =	vst v63  }
0x70: {  	v1 =	vor.u32 $0x180, v0;
	(ifvalue) =	ssetifvalue $0x7FFFFFFF  }
0x71: {  	s21 =	sadd.s32 $0x100, s19;
	(ifvalue) =	ssetifvalue $0x7FFFFFFF  }
0x72: {  	[tilespmem:s21], [sflag:$0x1] =	stream.indirect_vreg.gather [hbm4b:s2+s11], $0x1, v2, vm0, $0x4038;
	[tilespmem:$0x4400] =	vst v63  }
0x73: {  	v2 =	vor.u32 $0x200, v0;
	(ifvalue) =	ssetifvalue $0x7FFFFFFF  }
0x74: {  	s21 =	sadd.s32 $0x180, s19;
	(ifvalue) =	ssetifvalue $0x7FFFFFFF  }
0x75: {  	[tilespmem:s21], [sflag:$0x1] =	stream.indirect_vreg.gather [hbm4b:s2+s11], $0x1, v1, vm0, $0x4038;
	[tilespmem:$0x4400] =	vst v63  }
0x76: {  	v1 =	vor.u32 $0x280, v0;
	(ifvalue) =	ssetifvalue $0x7FFFFFFF  }
0x77: {  	s21 =	sadd.s32 $0x200, s19;
	(ifvalue) =	ssetifvalue $0x7FFFFFFF  }
0x78: {  	[tilespmem:s21], [sflag:$0x1] =	stream.indirect_vreg.gather [hbm4b:s2+s11], $0x1, v2, vm0, $0x4038;
	[tilespmem:$0x4400] =	vst v63  }
0x79: {  	v2 =	vor.u32 $0x300, v0;
	(ifvalue) =	ssetifvalue $0x7FFFFFFF  }
0x7a: {  	s21 =	sadd.s32 $0x280, s19;
	(ifvalue) =	ssetifvalue $0x7FFFFFFF  }
0x7b: {  	[tilespmem:s21], [sflag:$0x1] =	stream.indirect_vreg.gather [hbm4b:s2+s11], $0x1, v1, vm0, $0x4038;
	[tilespmem:$0x4400] =	vst v63  }
0x7c: {  	v1 =	vor.u32 $0x380, v0;
	(ifvalue) =	ssetifvalue $0x7FFFFFFF  }
0x7d: {  	s20 =	sor.u32 s18, s20;
	s21 =	sadd.s32 $0x300, s19;
	(ifvalue) =	ssetifvalue $0x7FFFFFFF  }
0x7e: {  	[tilespmem:s21], [sflag:$0x1] =	stream.indirect_vreg.gather [hbm4b:s2+s11], $0x1, v2, vm0, $0x4038;
	[tilespmem:$0x4400] =	vst v63  }
0x7f: {  	s20 =	sor.u32 $0x380, s20;
	v2 =	vadd.s32 $0x7A1400, v0;
	(ifvalue) =	ssetifvalue $0x7FFFFFFF  }
0x80: {  	s20 =	sadd.s32 s20, s15;
	(ifvalue) =	ssetifvalue $0x7FFFFFFF  }
0x81: {  	[tilespmem:s20], [sflag:$0x1] =	stream.indirect_vreg.gather [hbm4b:s2+s11], $0x1, v1, vm0, $0x4038;
	[tilespmem:$0x4400] =	vst v63  }
0x82: {  	v1 =	vadd.s32 $0x7A1480, v0;
	(ifvalue) =	ssetifvalue $0x7FFFFFFF  }
0x83: {  	s20 =	sadd.s32 $0x1000, s19;
	(ifvalue) =	ssetifvalue $0x7FFFFFFF  }
0x84: {  	[tilespmem:s20], [sflag:$0x1] =	stream.indirect_vreg.gather [hbm4b:s2+s11], $0x1, v2, vm0, $0x4038;
	[tilespmem:$0x4400] =	vst v63  }
0x85: {  	v2 =	vadd.s32 $0x7A1500, v0;
	(ifvalue) =	ssetifvalue $0x7FFFFFFF  }
0x86: {  	s20 =	sadd.s32 $0x1080, s19;
	(ifvalue) =	ssetifvalue $0x7FFFFFFF  }
0x87: {  	[tilespmem:s20], [sflag:$0x1] =	stream.indirect_vreg.gather [hbm4b:s2+s11], $0x1, v1, vm0, $0x4038;
	[tilespmem:$0x4400] =	vst v63  }
0x88: {  	v1 =	vadd.s32 $0x7A1580, v0;
	(ifvalue) =	ssetifvalue $0x7FFFFFFF  }
0x89: {  	s20 =	sadd.s32 $0x1100, s19;
	(ifvalue) =	ssetifvalue $0x7FFFFFFF  }
0x8a: {  	[tilespmem:s20], [sflag:$0x1] =	stream.indirect_vreg.gather [hbm4b:s2+s11], $0x1, v2, vm0, $0x4038;
	[tilespmem:$0x4400] =	vst v63  }
0x8b: {  	v2 =	vadd.s32 $0x7A1600, v0;
	(ifvalue) =	ssetifvalue $0x7FFFFFFF  }
0x8c: {  	s20 =	sadd.s32 $0x1180, s19;
	(ifvalue) =	ssetifvalue $0x7FFFFFFF  }
0x8d: {  	[tilespmem:s20], [sflag:$0x1] =	stream.indirect_vreg.gather [hbm4b:s2+s11], $0x1, v1, vm0, $0x4038;
	[tilespmem:$0x4400] =	vst v63  }
0x8e: {  	v1 =	vadd.s32 $0x7A1680, v0;
	(ifvalue) =	ssetifvalue $0x7FFFFFFF  }
0x8f: {  	s20 =	sadd.s32 $0x1200, s19;
	(ifvalue) =	ssetifvalue $0x7FFFFFFF  }
0x90: {  	[tilespmem:s20], [sflag:$0x1] =	stream.indirect_vreg.gather [hbm4b:s2+s11], $0x1, v2, vm0, $0x4038;
	[tilespmem:$0x4400] =	vst v63  }
0x91: {  	v2 =	vadd.s32 $0x7A1700, v0;
	(ifvalue) =	ssetifvalue $0x7FFFFFFF  }
0x92: {  	s20 =	sadd.s32 $0x1280, s19;
	(ifvalue) =	ssetifvalue $0x7FFFFFFF  }
0x93: {  	[tilespmem:s20], [sflag:$0x1] =	stream.indirect_vreg.gather [hbm4b:s2+s11], $0x1, v1, vm0, $0x4038;
	[tilespmem:$0x4400] =	vst v63  }
.Ltmp3:
0x94: {  	v0 =	vadd.s32 $0x7A1780, v0;
	(ifvalue) =	ssetifvalue $0x7FFFFFFF;
	(pc) =	sbr.rel @p1 .LBB2_3-.Ltmp3, $4  }
0x95: {  	s20 =	sadd.s32 $0x1300, s19;
	(ifvalue) =	ssetifvalue $0x7FFFFFFF  }
0x96: {  	[tilespmem:s20], [sflag:$0x1] =	stream.indirect_vreg.gather [hbm4b:s2+s11], $0x1, v2, vm0, $0x4038;
	[tilespmem:$0x4400] =	vst v63  }
0x97: {  	s17 =	sadd.s32 $0x10, s17;
	(ifvalue) =	ssetifvalue $0x7FFFFFFF  }
0x98: {  	s18 =	sadd.s32 $0x80, s18;
	s19 =	sadd.s32 $0x1380, s19;
	(ifvalue) =	ssetifvalue $0x7FFFFFFF  }
.Ltmp4:
0x99: {  	_ = 	snop;
	(pc) =	sbr.rel .LBB2_4-.Ltmp4, $1  }
0x9a: {  	_ =	sdelay $0x3  }
.LBB2_6:
0x9b: {  	_ =	sfence.sel $0x180000  }
0x9c: {  	s2 =	simm.s32 $0x2;
	[bflag:$0x0] =	sbarrier.arrive $0xFFFF  }
0x9d: {  	s30 =	simm.s32 $0x3;
	[sflag:s2] =	ssyncpa.u1 $0x1  }
0x9e: {  	s31 =	simm.s32 $0x1;
	[sflag:s30] =	ssyncpa.u1 $0x1  }
0x9f: {  	[sflag:s31] =	ssyncpa.u1 $0x1  }
0xa0: {  	p0 =	sne.s32 s0, $0x0;
	_ =	strace $0x9000004D  }
0xa1: {  	s0 =	sadd.s32 @!p0 $0x100000, s1;
	[bflag:$0x2] =	sbarrier.arrive $0xFFFF  }
0xa2: {  	[sflag:s0] =	ssyncadd.tile.s32 @!p0 $0x1;
	_ =	shalt  }
.Lfunc_end2:
_tile_overlayer_lowered:
.L_overlay_start_2:
0xa3: {  	(tag) =	ssettag $0x2  }
0xa4: {  	s0 =	rddreg [dreg:$0x0];
	s2 =	stileid.u32  }
0xa5: {  	s1 =	rddreg [dreg:$0x1];
	p0 =	sne.s32 s2, $0x0  }
0xa6: {  	s3 =	rddreg [dreg:$0x2];
	[bflag:$0x3] =	sbarrier.arrive $0xFFFF;
	s2 =	simm.s32 @!p0 $0x1C01  }
0xa7: {  	[timem:s3], [sflag:s2] =	dma.local @!p0 [hbm:s0], s1  }
0xa8: {  	s0 =	simm.s32 @!p0 $0x1  }
0xa9: {  	_ =	swait.ge @!p0 [sflag:s0], s1  }
0xaa: {  	s1 =	ssub.s32 @!p0 $0x0, s1;
	[sflag:s0] =	ssyncset.done @!p0 $0x0  }
0xab: {  	[sflag:s0] =	ssyncadd.s32 @!p0 s1  }
0xac: {  	[bflag:$0x3] =	sbarrier.arrive $0xFFFF  }
0xad: {  	_ =	shalt  }

// kernel: gather_offload_async_start.3
scs
__scs_entry_jumppad:
0x0: {  	(pc) =	sbr.rel $0x88, $3  }
0x1: {  	(tag) =	ssettag $0x0;
	lr =	simm.s32 $0x1  }
0x2: {  	[smem:$0x3F94] =	sst lr;
	_ =	strace $0xD0000000  }
0x3: {  	_ = 	snop  }
0x4: {  	_ = 	snop  }
0x5: {  	_ = 	snop  }
0x6: {  	_ = 	snop  }
0x7: {  	_ = 	snop  }
__scs_overlays_trampoline_lowered:
0x8: {  	[smem:$0x3FA3] =	sst s0  }
0x9: {  	[smem:$0x3FA4] =	sst s1  }
0xa: {  	[smem:$0x3FA5] =	sst s2  }
0xb: {  	[smem:$0x3FA6] =	sst s3  }
0xc: {  	[smem:$0x3FA7] =	sst s4  }
0xd: {  	[smem:$0x3FA8] =	sst s5  }
0xe: {  	[smem:$0x3FA9] =	sst s6  }
0xf: {  	[smem:$0x3FAA] =	sst s7  }
0x10: {  	[smem:$0x3FAB] =	sst s8  }
0x11: {  	[smem:$0x3FAC] =	sst s9;
	s0 =	simm.s32 @!p0 $0x0  }
0x12: {  	s1 =	sld [smem:$0x3F92];
	s0 =	simm.s32 @p0 $0x1  }
0x13: {  	[smem:$0x3FAD] =	sst s0;
	s0 =	simm.s32 @!p1 $0x0  }
0x14: {  	s2 =	sld [smem:$0x3F91];
	s0 =	simm.s32 @p1 $0x1  }
0x15: {  	[smem:$0x3FAE] =	sst s0;
	s0 =	simm.s32 @!p2 $0x0  }
0x16: {  	s3 =	sld [smem:$0x3FDB];
	s0 =	simm.s32 @p2 $0x1  }
0x17: {  	s4 =	simm.s32 $0x1BF5;
	[smem:$0x3FB0] =	sst s0  }
0x18: {  	s0 =	sld [smem:$0x3F93];
	_ =	swait.ge [sflag:s4], $0x0  }
0x19: {  	s7 =	sld [smem:$0x3F94]  }
0x1a: {  	s8 =	sadd.s32 $0xFFFFE003, lr  }
0x1b: {  	s9 =	sadd.s32 $0xFFFFFEF7, lr;
	s5 =	simm.s32 $0xFFFFFFFF;
	p2 =	slt.u32 s8, $0xFFFFF086  }
0x1c: {  	p1 =	slt.u32 s9, $0xF7A;
	s5 =	simm.s32 @!p2 $0x0  }
0x1d: {  	s5 =	simm.s32 @p1 $0x1;
	p0 =	seq.s32 s7, s2  }
0x1e: {  	s7 =	smul.u32 @!p0 $0xF7A, s2;
	p2 =	seq.s32 @!p0 s5, $0x0  }
0x1f: {  	s9 =	smul.u32 $0xF7A, s1;
	s8 =	simm.s32 @!p0 $0x1BF5;
	p2 =	por !p2, p0  }
0x20: {  	[sflag:s8] =	ssyncset.s32 @!p0 $0xFFFFF086;
	s6 =	sadd.s32 @!p0 s3, s7;
	s7 =	simm.s32 @!p0 $0x108  }
0x21: {  	s3 =	sadd.s32 s3, s9;
	s6 =	sadd.s32 @!p0 $0x88, s6;
	s7 =	simm.s32 @p2 $0x1082  }
0x22: {  	[simem:s7], [sflag:s8] =	dma.local @!p0 [hbm:s6], $0xF7A  }
0x23: {  	s9 =	sor.u32 $0xD0000000, s2;
	s6 =	simm.s32 $0x108;
	_ =	swait.ge @!p0 [sflag:s8], $0x0  }
0x24: {  	s3 =	sadd.s32 $0x88, s3;
	s6 =	simm.s32 @!p1 $0x1082;
	[sflag:s4] =	ssyncset.s32 $0xFFFFF086  }
0x25: {  	[simem:s6], [sflag:s4] =	dma.local [hbm:s3], $0xF7A  }
0x26: {  	[smem:$0x3F94] =	sst s1;
	(tag) =	ssettag s2;
	_ =	strace s9  }
0x27: {  	s1 =	sld [smem:$0x3FA4]  }
0x28: {  	s2 =	sld [smem:$0x3FA5]  }
0x29: {  	s4 =	sld [smem:$0x3FA7]  }
0x2a: {  	p0 =	seq.s32 s5, $0x0;
	s5 =	sld [smem:$0x3FA8]  }
0x2b: {  	s6 =	sld [smem:$0x3FA9]  }
0x2c: {  	s7 =	sld [smem:$0x3FAA]  }
0x2d: {  	s3 =	simm.s32 $0x108;
	s8 =	sld [smem:$0x3FAB]  }
0x2e: {  	s3 =	simm.s32 @!p0 $0x1082;
	s9 =	sld [smem:$0x3FAC]  }
0x2f: {  	lr =	sadd.s32 s0, s3;
	s0 =	sld [smem:$0x3FA3]  }
0x30: {  	s3 =	sld [smem:$0x3FA6]  }
0x31: {  	[smem:$0x3FAF] =	sst s10  }
0x32: {  	s10 =	sld [smem:$0x3FAD];
	_ =	sdelay $0x3  }
0x33: {  	p0 =	seq.s32 s10, $0x1;
	s10 =	sld [smem:$0x3FAF];
	_ =	sdelay $0x3  }
0x34: {  	[smem:$0x3FAF] =	sst s10  }
0x35: {  	s10 =	sld [smem:$0x3FAE];
	_ =	sdelay $0x3  }
0x36: {  	p1 =	seq.s32 s10, $0x1;
	s10 =	sld [smem:$0x3FAF];
	_ =	sdelay $0x3  }
0x37: {  	[smem:$0x3FAF] =	sst s10  }
0x38: {  	s10 =	sld [smem:$0x3FB0]  }
0x39: {  	_ = 	snop;
	(pc) =	sbr.ind lr, $3  }
0x3a: {  	_ = 	snop  }
0x3b: {  	_ = 	snop  }
0x3c: {  	p2 =	seq.s32 s10, $0x1;
	s10 =	sld [smem:$0x3FAF]  }
0x3d: {  	_ =	shalt  }
0x3e: {  	_ =	shalt  }
0x3f: {  	_ =	shalt  }
0x40: {  	_ =	shalt  }
0x41: {  	_ =	shalt  }
0x42: {  	_ =	shalt  }
0x43: {  	_ =	shalt  }
0x44: {  	_ =	shalt  }
0x45: {  	_ =	shalt  }
0x46: {  	_ =	shalt  }
0x47: {  	_ =	shalt  }
0x48: {  	_ =	shalt  }
0x49: {  	_ =	shalt  }
0x4a: {  	_ =	shalt  }
0x4b: {  	_ =	shalt  }
0x4c: {  	_ =	shalt  }
0x4d: {  	_ =	shalt  }
0x4e: {  	_ =	shalt  }
0x4f: {  	_ =	shalt  }
0x50: {  	_ =	shalt  }
0x51: {  	_ =	shalt  }
0x52: {  	_ =	shalt  }
0x53: {  	_ =	shalt  }
0x54: {  	_ =	shalt  }
0x55: {  	_ =	shalt  }
0x56: {  	_ =	shalt  }
0x57: {  	_ =	shalt  }
0x58: {  	_ =	shalt  }
0x59: {  	_ =	shalt  }
0x5a: {  	_ =	shalt  }
0x5b: {  	_ =	shalt  }
0x5c: {  	_ =	shalt  }
0x5d: {  	_ =	shalt  }
0x5e: {  	_ =	shalt  }
0x5f: {  	_ =	shalt  }
0x60: {  	_ =	shalt  }
0x61: {  	_ =	shalt  }
0x62: {  	_ =	shalt  }
0x63: {  	_ =	shalt  }
0x64: {  	_ =	shalt  }
0x65: {  	_ =	shalt  }
0x66: {  	_ =	shalt  }
0x67: {  	_ =	shalt  }
0x68: {  	_ =	shalt  }
0x69: {  	_ =	shalt  }
0x6a: {  	_ =	shalt  }
0x6b: {  	_ =	shalt  }
0x6c: {  	_ =	shalt  }
0x6d: {  	_ =	shalt  }
0x6e: {  	_ =	shalt  }
0x6f: {  	_ =	shalt  }
0x70: {  	_ =	shalt  }
0x71: {  	_ =	shalt  }
0x72: {  	_ =	shalt  }
0x73: {  	_ =	shalt  }
0x74: {  	_ =	shalt  }
0x75: {  	_ =	shalt  }
0x76: {  	_ =	shalt  }
0x77: {  	_ =	shalt  }
0x78: {  	_ =	shalt  }
0x79: {  	_ =	shalt  }
0x7a: {  	_ =	shalt  }
0x7b: {  	_ =	shalt  }
0x7c: {  	_ =	shalt  }
0x7d: {  	_ =	shalt  }
0x7e: {  	_ =	shalt  }
0x7f: {  	_ =	shalt  }
0x80: {  	_ =	shalt  }
0x81: {  	_ =	shalt  }
0x82: {  	_ =	shalt  }
0x83: {  	_ =	shalt  }
0x84: {  	_ =	shalt  }
0x85: {  	_ =	shalt  }
0x86: {  	_ =	shalt  }
0x87: {  	_ =	shalt  }
.Lfunc_end0:
.L_simem_size_0:
called_computation.3_lowered:
.L_overlay_start_0:
0x88: {  	s2 =	sld [smem:$0x3FD9]  }
0x89: {  	s3 =	sld [smem:$0x3FFE];
	_ =	sdelay $0x1  }
0x8a: {  	s1 =	srdreg.scid  }
0x8b: {  	s0 =	sand.u32 $0x1, s1  }
0x8c: {  	s17 =	sshll.u32 s0, $0xA;
	s2 =	sadd.s32 s3, s2  }
0x8d: {  	s2 =	sadd.s32 s2, s17  }
0x8e: {  	[smem:$0x3FBB] =	sst s2  }
0x8f: {  	_ = 	snop  }
0x90: {  	s18 =	sld [smem:$0x3FC7]  }
0x91: {  	s4 =	sld [smem:$0x3FD0];
	(tm) =	ssettm $0x1  }
0x92: {  	s19 =	sld [smem:$0x3FFB];
	_ =	sdelay $0x3  }
0x93: {  	_ =	strace s19  }
0x94: {  	s2 =	sld [smem:$0x3FFC];
	_ =	sdelay $0x3  }
0x95: {  	_ =	strace s2  }
0x96: {  	s2 =	sld [smem:$0x3FFD];
	_ =	sdelay $0x3  }
0x97: {  	_ =	strace s2  }
0x98: {  	_ =	strace $0x8FFFFFFF  }
0x99: {  	s20 =	sld [smem:$0x3FDB];
	_ =	sdelay $0x1  }
0x9a: {  	s5 =	simm.s32 $_scs_section_size  }
0x9b: {  	s6 =	simm.s32 $_size__tile_overlayer_lowered;
	s7 =	simm.s32 $_tile_overlayer_lowered  }
0x9c: {  	s8 =	simm.s32 $0x1BFF;
	s21 =	sshll.u32 s7, $0x1;
	s5 =	sadd.s32 s5, s20  }
0x9d: {  	s22 =	simm.s32 $0x0;
	s6 =	sshll.u32 s6, $0x1;
	s7 =	sadd.s32 s21, s5  }
0x9e: {  	[timem:s22], [sflag:s8] =	dma.local [hbm:s7], s6  }
0x9f: {  	_ =	swait.ge [sflag:s8], s6  }
0xa0: {  	s6 =	ssub.s32 $0x0, s6;
	[sflag:s8] =	ssyncset.done $0x0  }
0xa1: {  	[sflag:s8] =	ssyncadd.s32 s6;
	_ =	sdelay $0x1  }
0xa2: {  	s23 =	simm.s32 $0x1B8B  }
0xa3: {  	_ =	swait.ge [sflag:s23], $0x1  }
0xa4: {  	[sflag:s23] =	ssyncset.done $0x0  }
0xa5: {  	[sflag:s23] =	ssyncadd.s32 $0xFFFFFFFF  }
0xa6: {  	s6 =	sld [smem:$0x0]  }
0xa7: {  	s7 =	sand.u32 $0xFFFFFFFE, s1  }
0xa8: {  	p0 =	sne.s32 s1, s7  }
0xa9: {  	s7 =	sshll.u32 @p0 s7, $0xE  }
0xaa: {  	s7 =	sadd.s32 @p0 $0x11B8D, s7;
	s8 =	sshll.u32 @p0 s6, $0x11  }
0xab: {  	s7 =	sor.u32 @p0 s8, s7  }
0xac: {  	[sflag:s7] =	ssyncadd.remote.s32 @p0 $0x1;
	_ =	sdelay $0x1  }
0xad: {  	s7 =	simm.s32 @p0 $0x1B8D  }
0xae: {  	_ =	swait.eq @p0 [sflag:s7], $0x1  }
0xaf: {  	[sflag:s7] =	ssyncadd.s32 @p0 $0xFFFFFFFF  }
0xb0: {  	s8 =	sshll.u32 @!p0 s1, $0xE  }
0xb1: {  	s8 =	sor.u32 @!p0 $0x4000, s8;
	s7 =	simm.s32 @!p0 $0x1B8D  }
0xb2: {  	s6 =	sshll.u32 @!p0 s6, $0x11;
	s8 =	sadd.s32 @!p0 $0x11B8D, s8;
	_ =	swait.eq @!p0 [sflag:s7], $0x1  }
0xb3: {  	s6 =	sor.u32 @!p0 s6, s8;
	[sflag:s7] =	ssyncadd.s32 @!p0 $0xFFFFFFFF  }
0xb4: {  	s25 =	simm.s32 $0x1B8E;
	s24 =	sld [smem:$0x3FFE];
	[sflag:s6] =	ssyncadd.remote.s32 @!p0 $0x1  }
0xb5: {  	s26 =	simm.s32 $execute0_lowered;
	[smem:$0x3FD2] =	sst s25  }
0xb6: {  	s7 =	sshll.u32 s26, $0x1;
	_ =	strace $0x8000004F;
	[dreg:$0x1] =	wrdreg $0xFFFFFFFF  }
0xb7: {  	s28 =	simm.s32 $_size_execute0_lowered;
	s5 =	sadd.s32 s5, s7;
	[dreg:$0x0] =	wrdreg $0x0  }
0xb8: {  	s7 =	sshll.u32 s28, $0x1;
	[dreg:$0x2] =	wrdreg s5  }
0xb9: {  	[dreg:$0x3] =	wrdreg s7  }
0xba: {  	[dreg:$0x4] =	wrdreg $0xC0  }
0xbb: {  	_ =	task [dreg:s22], $0x5FFFF  }
0xbc: {  	[dreg:$0x1] =	wrdreg $0xFFFFFFFF  }
0xbd: {  	[dreg:$0x0] =	wrdreg $0x60  }
0xbe: {  	[dreg:$0x2] =	wrdreg s18  }
0xbf: {  	[dreg:$0x3] =	wrdreg s4  }
0xc0: {  	[dreg:$0x4] =	wrdreg s24  }
0xc1: {  	[dreg:$0x5] =	wrdreg $0xC  }
0xc2: {  	_ =	task.clear_ibuf [dreg:s22], $0x6FFFF;
	_ =	strace $0x9000004F  }
0xc3: {  	s29 =	simm.s32 $0xC;
	_ =	strace $0x80000051  }
0xc4: {  	_ =	swait.ge [sflag:s29], $0x1  }
0xc5: {  	[sflag:s29] =	ssyncadd.s32 $0xFFFFFFFF  }
0xc6: {  	_ =	strace $0x90000051  }
0xc7: {  	_ =	sfence  }
0xc8: {  	s30 =	sld [smem:$0x0];
	_ =	sdelay $0x2  }
0xc9: {  	s31 =	sshll.u32 s1, $0xD;
	s1 =	sshrl.u32 s1, $0x2  }
0xca: {  	s4 =	sand.u32 $0x4000, s31;
	s1 =	sadd.s32 s1, s30  }
0xcb: {  	s0 =	sor.u32 s4, s0;
	s1 =	sshll.u32 s1, $0x11  }
0xcc: {  	s0 =	sor.u32 s1, s0  }
0xcd: {  	s0 =	sadd.s32 $0x8F2B, s0  }
0xce: {  	[sflag:s0] =	ssyncadd.remote.s32 $0x1  }
0xcf: {  	_ =	sfence.sel $0xFFFF  }
0xd0: {  	[dreg:$0x0] =	wrdreg $0xFFFFFFFF;
	(pc) =	sbr.abs _section_cstart, $3  }
0xd1: {  	[dreg:$0x1] =	wrdreg $0xFFFFFFFF  }
0xd2: {  	_ =	task.clear_ibuf [dreg:s22], $0x2FFFF;
	_ =	strace $0x9FFFFFFF  }
0xd3: {  	(tm) =	ssettm $0x7FFFFFFF  }
tec
execute0_lowered:
.L_overlay_start_1:
0x0: {  	(tag) =	ssettag $0x1  }
0x1: {  	s2 =	rddreg [dreg:$0x0]  }
0x2: {  	s8 =	rddreg [dreg:$0x1]  }
0x3: {  	s0 =	srdreg.scid;
	s9 =	rddreg [dreg:$0x2]  }
0x4: {  	s1 =	stileid.u32;
	s11 =	simm.s32 $0x3;
	s13 =	simm.s32 $0x0  }
0x5: {  	s3 =	sshll.u32 s0, $0x9;
	s0 =	rddreg [dreg:$0x3];
	s4 =	sshll.u32 s1, $0xA  }
0x6: {  	_ =	strace $0x80000050;
	s6 =	sadd.s32 $0x2B400, s9;
	s5 =	sand.u32 $0x200, s3  }
0x7: {  	s9 =	sadd.s32 $0x2F400, s9;
	s3 =	simm.s32 $0x1;
	s4 =	sor.u32 s4, s5  }
0x8: {  	[sflag:s3] =	ssyncpa.u1 $0x0;
	s5 =	simm.s32 $0x2;
	s7 =	ssub.s32 $0x4000, s4  }
.Ltmp0:
0x9: {  	[sflag:s5] =	ssyncpa.u1 $0x0;
	s10 =	sand.u32 $0x3E00, s7;
	(pc) =	sbr.rel .LBB2_1-.Ltmp0, $4  }
0xa: {  	s12 =	sshrl.u32 s4, $0x3;
	p0 =	sne.s32 s10, $0x0;
	s10 =	simm.s32 $0x1  }
0xb: {  	s7 =	sshrl.u32 s7, $0xE;
	[sflag:s11] =	ssyncpa.u1 $0x0;
	s10 =	simm.s32 @!p0 $0x0  }
0xc: {  	s8 =	sadd.s32 s8, s12;
	s11 =	simm.s32 $0x0;
	s7 =	sadd.s32 s10, s7  }
0xd: {  	vm0 =	vmmov $0xffff;
	s12 =	simm.s32 $0x0;
	p0 =	por $0x0, $0x0;
	s10 =	sadd.s32 $0x1, s7  }
.LBB2_4:
0xe: {  	_ =	sdelay $0x3  }
0xf: {  	[tilespmem:s19], [sflag:$0x1] =	stream.indirect_vreg.gather [hbm4b:s2+s11], $0x1, v0, vm0, $0x4038;
	[tilespmem:$0x4400] =	vst v63  }
0x10: {  	s16 =	sshll.u32 s13, $0x3  }
0x11: {  	s30 =	sand.u32 $0x78, s13;
	s16 =	sand.u32 $0x7FFFFC00, s16  }
0x12: {  	_ =	swait.ge [sflag:s3], $0x2000;
	s13 =	sor.u32 s30, s16  }
0x13: {  	[sflag:s3] =	ssyncset.done $0x0;
	s13 =	sshrl.u32 s13, $0x3  }
0x14: {  	[sflag:s3] =	ssyncadd.s32 $0xFFFFE000;
	s31 =	sadd.s32 s6, s13  }
0x15: {  	[hbm:s31] =	stream.linear.scatter [tilespmem:s15], [sflag:$0x3], $0x1000, $0x38;
	[tilespmem:$0x4400] =	vst v63  }
0x16: {  	s14 =	sadd.s32 $0x1400, s14;
	s13 =	sadd.s32 s13, s9  }
0x17: {  	[hbm:s13] =	stream.linear.scatter [tilespmem:s14], [sflag:$0x3], $0x1000, $0x38;
	[tilespmem:$0x4400] =	vst v63  }
.LBB2_5:
0x18: {  	p2 =	sne.s32 s12, s10  }
.Ltmp1:
0x19: {  	p1 =	slt.u32 s12, $0x2;
	(pc) =	sbr.rel @!p2 .LBB2_6-.Ltmp1, $4  }
0x1a: {  	s13 =	simm.s32 @!p1 $0x3  }
0x1b: {  	_ =	swait.ge @!p1 [sflag:s13], $0x2000  }
0x1c: {  	s14 =	sadd.s32 $0x1, s12;
	p0 =	por !p0, !p0;
	[sflag:s13] =	ssyncset.done @!p1 $0x0  }
0x1d: {  	s12 =	smov.u32 s14;
	[sflag:s13] =	ssyncadd.s32 @!p1 $0xFFFFE000;
	s13 =	smov.u32 s4  }
.LBB2_1:
0x1e: {  	p1 =	sge.u32 s12, s7  }
0x1f: {  	s14 =	sxor.u32 @!p1 $0xFFFFFFFF, s12  }
0x20: {  	s14 =	sshll.u32 @!p1 s14, $0x9  }
0x21: {  	s31 =	sadd.s32 $0xFFFFFFFF, s12;
	s15 =	simm.s32 @!p1 $0x0;
	s14 =	sand.u32 @!p1 $0x200, s14  }
0x22: {  	[tilespmem:s14], [sflag:$0x2] =	stream.linear.gather @!p1 [hbm4b:s8+s15], $0x200, $0x38;
	[tilespmem:$0x4400] =	vst v63  }
0x23: {  	p1 =	sge.u32 s31, s7  }
.Ltmp2:
0x24: {  	_ = 	snop;
	(pc) =	sbr.rel @p1 .LBB2_5-.Ltmp2, $1  }
0x25: {  	_ =	sdelay $0x3  }
0x26: {  	s14 =	simm.s32 $0x1;
	_ =	swait.ge [sflag:s5], $0x200  }
0x27: {  	s14 =	simm.s32 @!p0 $0x0;
	[sflag:s5] =	ssyncset.done $0x0  }
0x28: {  	s17 =	sshll.u32 s14, $0x9;
	[sflag:s5] =	ssyncadd.s32 $0xFFFFFE00  }
0x29: {  	v0 =	vld.msk [tilespmem:s17+$0x0 ss:$0x1], $0xffff;
	_ =	sdelay $0x4  }
0x2a: {  	vm1 =	vgt.s32 v0, $0x0  }
0x2b: {  	v0 =	vnsel vm1, $0x0, v0  }
0x2c: {  	v0 =	vmin.u32 v0, $0xF4240  }
0x2d: {  	v1 =	vshll.u32 v0, $0x3  }
0x2e: {  	v0 =	vand.u32 $0x7F, v0;
	v1 =	vand.u32 $0x7FFC00, v1  }
0x2f: {  	s30 =	sshll.u32 s12, $0xD;
	v0 =	vor.u32 v0, v1  }
0x30: {  	s16 =	simm.s32 $0x0;
	s14 =	sand.u32 $0x2000, s30  }
0x31: {  	s18 =	sand.u32 $0xC00, s16;
	s15 =	sor.u32 $0x400, s14  }
0x32: {  	s19 =	sand.u32 $0x70, s16;
	(ifvalue) =	ssetifvalue $0x7FFFFFFF;
	s18 =	sadd.s32 s18, s15;
	v1 =	vor.u32 $0x80, v0  }
0x33: {  	(ifvalue) =	ssetifvalue $0x7FFFFFFF;
	s18 =	sadd.s32 s19, s18  }
0x34: {  	[tilespmem:s18], [sflag:$0x1] =	stream.indirect_vreg.gather [hbm4b:s2+s11], $0x1, v0, vm0, $0x4038;
	[tilespmem:$0x4400] =	vst v63  }
0x35: {  	v2 =	vor.u32 $0x100, v0;
	(ifvalue) =	ssetifvalue $0x7FFFFFFF  }
0x36: {  	s19 =	sadd.s32 $0x80, s18;
	(ifvalue) =	ssetifvalue $0x7FFFFFFF  }
0x37: {  	[tilespmem:s19], [sflag:$0x1] =	stream.indirect_vreg.gather [hbm4b:s2+s11], $0x1, v1, vm0, $0x4038;
	[tilespmem:$0x4400] =	vst v63  }
0x38: {  	v1 =	vor.u32 $0x180, v0;
	(ifvalue) =	ssetifvalue $0x7FFFFFFF  }
0x39: {  	s31 =	sadd.s32 $0x100, s18;
	(ifvalue) =	ssetifvalue $0x7FFFFFFF  }
0x3a: {  	[tilespmem:s31], [sflag:$0x1] =	stream.indirect_vreg.gather [hbm4b:s2+s11], $0x1, v2, vm0, $0x4038;
	[tilespmem:$0x4400] =	vst v63  }
0x3b: {  	v2 =	vor.u32 $0x200, v0;
	(ifvalue) =	ssetifvalue $0x7FFFFFFF  }
0x3c: {  	s20 =	sadd.s32 $0x180, s18;
	(ifvalue) =	ssetifvalue $0x7FFFFFFF  }
0x3d: {  	[tilespmem:s20], [sflag:$0x1] =	stream.indirect_vreg.gather [hbm4b:s2+s11], $0x1, v1, vm0, $0x4038;
	[tilespmem:$0x4400] =	vst v63  }
0x3e: {  	(ifvalue) =	ssetifvalue $0x7FFFFFFF;
	v1 =	vor.u32 $0x280, v0  }
0x3f: {  	s21 =	sadd.s32 $0x200, s18;
	(ifvalue) =	ssetifvalue $0x7FFFFFFF  }
0x40: {  	[tilespmem:s21], [sflag:$0x1] =	stream.indirect_vreg.gather [hbm4b:s2+s11], $0x1, v2, vm0, $0x4038;
	[tilespmem:$0x4400] =	vst v63  }
0x41: {  	(ifvalue) =	ssetifvalue $0x7FFFFFFF;
	v2 =	vor.u32 $0x300, v0  }
0x42: {  	s22 =	sadd.s32 $0x280, s18;
	(ifvalue) =	ssetifvalue $0x7FFFFFFF  }
0x43: {  	[tilespmem:s22], [sflag:$0x1] =	stream.indirect_vreg.gather [hbm4b:s2+s11], $0x1, v1, vm0, $0x4038;
	[tilespmem:$0x4400] =	vst v63  }
0x44: {  	(ifvalue) =	ssetifvalue $0x7FFFFFFF;
	v1 =	vor.u32 $0x380, v0  }
0x45: {  	s16 =	sor.u32 s16, s16;
	s23 =	sadd.s32 $0x300, s18;
	(ifvalue) =	ssetifvalue $0x7FFFFFFF  }
0x46: {  	[tilespmem:s23], [sflag:$0x1] =	stream.indirect_vreg.gather [hbm4b:s2+s11], $0x1, v2, vm0, $0x4038;
	[tilespmem:$0x4400] =	vst v63  }
0x47: {  	s16 =	sor.u32 $0x380, s16;
	(ifvalue) =	ssetifvalue $0x7FFFFFFF;
	v2 =	vadd.s32 $0x7A1400, v0  }
0x48: {  	s16 =	sadd.s32 s16, s15;
	(ifvalue) =	ssetifvalue $0x7FFFFFFF  }
0x49: {  	[tilespmem:s16], [sflag:$0x1] =	stream.indirect_vreg.gather [hbm4b:s2+s11], $0x1, v1, vm0, $0x4038;
	[tilespmem:$0x4400] =	vst v63  }
0x4a: {  	(ifvalue) =	ssetifvalue $0x7FFFFFFF;
	v1 =	vadd.s32 $0x7A1480, v0  }
0x4b: {  	s24 =	sadd.s32 $0x1000, s18;
	(ifvalue) =	ssetifvalue $0x7FFFFFFF  }
0x4c: {  	[tilespmem:s24], [sflag:$0x1] =	stream.indirect_vreg.gather [hbm4b:s2+s11], $0x1, v2, vm0, $0x4038;
	[tilespmem:$0x4400] =	vst v63  }
0x4d: {  	(ifvalue) =	ssetifvalue $0x7FFFFFFF;
	v2 =	vadd.s32 $0x7A1500, v0  }
0x4e: {  	s25 =	sadd.s32 $0x1080, s18;
	(ifvalue) =	ssetifvalue $0x7FFFFFFF  }
0x4f: {  	[tilespmem:s25], [sflag:$0x1] =	stream.indirect_vreg.gather [hbm4b:s2+s11], $0x1, v1, vm0, $0x4038;
	[tilespmem:$0x4400] =	vst v63  }
0x50: {  	(ifvalue) =	ssetifvalue $0x7FFFFFFF;
	v1 =	vadd.s32 $0x7A1580, v0  }
0x51: {  	s26 =	sadd.s32 $0x1100, s18;
	(ifvalue) =	ssetifvalue $0x7FFFFFFF  }
0x52: {  	[tilespmem:s26], [sflag:$0x1] =	stream.indirect_vreg.gather [hbm4b:s2+s11], $0x1, v2, vm0, $0x4038;
	[tilespmem:$0x4400] =	vst v63  }
0x53: {  	(ifvalue) =	ssetifvalue $0x7FFFFFFF;
	v2 =	vadd.s32 $0x7A1600, v0  }
0x54: {  	s28 =	sadd.s32 $0x1180, s18;
	(ifvalue) =	ssetifvalue $0x7FFFFFFF  }
0x55: {  	[tilespmem:s28], [sflag:$0x1] =	stream.indirect_vreg.gather [hbm4b:s2+s11], $0x1, v1, vm0, $0x4038;
	[tilespmem:$0x4400] =	vst v63  }
0x56: {  	(ifvalue) =	ssetifvalue $0x7FFFFFFF;
	v1 =	vadd.s32 $0x7A1680, v0  }
0x57: {  	s29 =	sadd.s32 $0x1200, s18;
	(ifvalue) =	ssetifvalue $0x7FFFFFFF  }
0x58: {  	[tilespmem:s29], [sflag:$0x1] =	stream.indirect_vreg.gather [hbm4b:s2+s11], $0x1, v2, vm0, $0x4038;
	[tilespmem:$0x4400] =	vst v63  }
0x59: {  	(ifvalue) =	ssetifvalue $0x7FFFFFFF;
	v2 =	vadd.s32 $0x7A1700, v0  }
0x5a: {  	s30 =	sadd.s32 $0x1280, s18;
	(ifvalue) =	ssetifvalue $0x7FFFFFFF  }
0x5b: {  	[tilespmem:s30], [sflag:$0x1] =	stream.indirect_vreg.gather [hbm4b:s2+s11], $0x1, v1, vm0, $0x4038;
	[tilespmem:$0x4400] =	vst v63  }
0x5c: {  	v0 =	vadd.s32 $0x7A1780, v0;
	(ifvalue) =	ssetifvalue $0x7FFFFFFF  }
0x5d: {  	s31 =	sadd.s32 $0x1300, s18;
	(ifvalue) =	ssetifvalue $0x7FFFFFFF  }
0x5e: {  	[tilespmem:s31], [sflag:$0x1] =	stream.indirect_vreg.gather [hbm4b:s2+s11], $0x1, v2, vm0, $0x4038;
	[tilespmem:$0x4400] =	vst v63  }
0x5f: {  	s17 =	sadd.s32 $0x10, s17;
	s19 =	sadd.s32 $0x1380, s18;
	(ifvalue) =	ssetifvalue $0x7FFFFFFF  }
0x60: {  	s18 =	simm.s32 $0x80;
	s16 =	simm.s32 $0x10;
	(ifvalue) =	ssetifvalue $0x7FFFFFFF  }
.LBB2_3:
0x61: {  	[tilespmem:s19], [sflag:$0x1] =	stream.indirect_vreg.gather [hbm4b:s2+s11], $0x1, v0, vm0, $0x4038;
	[tilespmem:$0x4400] =	vst v63  }
0x62: {  	p1 =	sne.s32 s16, $0x1F0;
	s20 =	smov.u32 s16;
	s16 =	sadd.s32 $0x10, s16;
	v0 =	vld.msk [tilespmem:s17+$0x0 ss:$0x1], $0xffff  }
0x63: {  	(ifvalue) =	ssetifvalue $0x7FFFFFFF;
	_ =	sdelay $0x4  }
0x64: {  	vm1 =	vgt.s32 v0, $0x0  }
0x65: {  	v0 =	vnsel vm1, $0x0, v0  }
0x66: {  	v0 =	vmin.u32 v0, $0xF4240  }
0x67: {  	v1 =	vshll.u32 v0, $0x3  }
0x68: {  	v0 =	vand.u32 $0x7F, v0;
	v1 =	vand.u32 $0x7FFC00, v1  }
0x69: {  	v0 =	vor.u32 v0, v1;
	_ =	sdelay $0x1  }
0x6a: {  	s19 =	sand.u32 $0xC00, s18  }
0x6b: {  	s21 =	sand.u32 $0x70, s20;
	s19 =	sadd.s32 s19, s15;
	v1 =	vor.u32 $0x80, v0  }
0x6c: {  	s19 =	sadd.s32 s21, s19;
	(ifvalue) =	ssetifvalue $0x7FFFFFFF  }
0x6d: {  	[tilespmem:s19], [sflag:$0x1] =	stream.indirect_vreg.gather [hbm4b:s2+s11], $0x1, v0, vm0, $0x4038;
	[tilespmem:$0x4400] =	vst v63  }
0x6e: {  	v2 =	vor.u32 $0x100, v0;
	(ifvalue) =	ssetifvalue $0x7FFFFFFF  }
0x6f: {  	s21 =	sadd.s32 $0x80, s19;
	(ifvalue) =	ssetifvalue $0x7FFFFFFF  }
0x70: {  	[tilespmem:s21], [sflag:$0x1] =	stream.indirect_vreg.gather [hbm4b:s2+s11], $0x1, v1, vm0, $0x4038;
	[tilespmem:$0x4400] =	vst v63  }
0x71: {  	v1 =	vor.u32 $0x180, v0;
	(ifvalue) =	ssetifvalue $0x7FFFFFFF  }
0x72: {  	s21 =	sadd.s32 $0x100, s19;
	(ifvalue) =	ssetifvalue $0x7FFFFFFF  }
0x73: {  	[tilespmem:s21], [sflag:$0x1] =	stream.indirect_vreg.gather [hbm4b:s2+s11], $0x1, v2, vm0, $0x4038;
	[tilespmem:$0x4400] =	vst v63  }
0x74: {  	v2 =	vor.u32 $0x200, v0;
	(ifvalue) =	ssetifvalue $0x7FFFFFFF  }
0x75: {  	s21 =	sadd.s32 $0x180, s19;
	(ifvalue) =	ssetifvalue $0x7FFFFFFF  }
0x76: {  	[tilespmem:s21], [sflag:$0x1] =	stream.indirect_vreg.gather [hbm4b:s2+s11], $0x1, v1, vm0, $0x4038;
	[tilespmem:$0x4400] =	vst v63  }
0x77: {  	v1 =	vor.u32 $0x280, v0;
	(ifvalue) =	ssetifvalue $0x7FFFFFFF  }
0x78: {  	s21 =	sadd.s32 $0x200, s19;
	(ifvalue) =	ssetifvalue $0x7FFFFFFF  }
0x79: {  	[tilespmem:s21], [sflag:$0x1] =	stream.indirect_vreg.gather [hbm4b:s2+s11], $0x1, v2, vm0, $0x4038;
	[tilespmem:$0x4400] =	vst v63  }
0x7a: {  	v2 =	vor.u32 $0x300, v0;
	(ifvalue) =	ssetifvalue $0x7FFFFFFF  }
0x7b: {  	s21 =	sadd.s32 $0x280, s19;
	(ifvalue) =	ssetifvalue $0x7FFFFFFF  }
0x7c: {  	[tilespmem:s21], [sflag:$0x1] =	stream.indirect_vreg.gather [hbm4b:s2+s11], $0x1, v1, vm0, $0x4038;
	[tilespmem:$0x4400] =	vst v63  }
0x7d: {  	v1 =	vor.u32 $0x380, v0;
	(ifvalue) =	ssetifvalue $0x7FFFFFFF  }
0x7e: {  	s20 =	sor.u32 s18, s20;
	s21 =	sadd.s32 $0x300, s19;
	(ifvalue) =	ssetifvalue $0x7FFFFFFF  }
0x7f: {  	[tilespmem:s21], [sflag:$0x1] =	stream.indirect_vreg.gather [hbm4b:s2+s11], $0x1, v2, vm0, $0x4038;
	[tilespmem:$0x4400] =	vst v63  }
0x80: {  	s20 =	sor.u32 $0x380, s20;
	v2 =	vadd.s32 $0x7A1400, v0;
	(ifvalue) =	ssetifvalue $0x7FFFFFFF  }
0x81: {  	s20 =	sadd.s32 s20, s15;
	(ifvalue) =	ssetifvalue $0x7FFFFFFF  }
0x82: {  	[tilespmem:s20], [sflag:$0x1] =	stream.indirect_vreg.gather [hbm4b:s2+s11], $0x1, v1, vm0, $0x4038;
	[tilespmem:$0x4400] =	vst v63  }
0x83: {  	v1 =	vadd.s32 $0x7A1480, v0;
	(ifvalue) =	ssetifvalue $0x7FFFFFFF  }
0x84: {  	s20 =	sadd.s32 $0x1000, s19;
	(ifvalue) =	ssetifvalue $0x7FFFFFFF  }
0x85: {  	[tilespmem:s20], [sflag:$0x1] =	stream.indirect_vreg.gather [hbm4b:s2+s11], $0x1, v2, vm0, $0x4038;
	[tilespmem:$0x4400] =	vst v63  }
0x86: {  	v2 =	vadd.s32 $0x7A1500, v0;
	(ifvalue) =	ssetifvalue $0x7FFFFFFF  }
0x87: {  	s20 =	sadd.s32 $0x1080, s19;
	(ifvalue) =	ssetifvalue $0x7FFFFFFF  }
0x88: {  	[tilespmem:s20], [sflag:$0x1] =	stream.indirect_vreg.gather [hbm4b:s2+s11], $0x1, v1, vm0, $0x4038;
	[tilespmem:$0x4400] =	vst v63  }
0x89: {  	v1 =	vadd.s32 $0x7A1580, v0;
	(ifvalue) =	ssetifvalue $0x7FFFFFFF  }
0x8a: {  	s20 =	sadd.s32 $0x1100, s19;
	(ifvalue) =	ssetifvalue $0x7FFFFFFF  }
0x8b: {  	[tilespmem:s20], [sflag:$0x1] =	stream.indirect_vreg.gather [hbm4b:s2+s11], $0x1, v2, vm0, $0x4038;
	[tilespmem:$0x4400] =	vst v63  }
0x8c: {  	v2 =	vadd.s32 $0x7A1600, v0;
	(ifvalue) =	ssetifvalue $0x7FFFFFFF  }
0x8d: {  	s20 =	sadd.s32 $0x1180, s19;
	(ifvalue) =	ssetifvalue $0x7FFFFFFF  }
0x8e: {  	[tilespmem:s20], [sflag:$0x1] =	stream.indirect_vreg.gather [hbm4b:s2+s11], $0x1, v1, vm0, $0x4038;
	[tilespmem:$0x4400] =	vst v63  }
0x8f: {  	v1 =	vadd.s32 $0x7A1680, v0;
	(ifvalue) =	ssetifvalue $0x7FFFFFFF  }
0x90: {  	s20 =	sadd.s32 $0x1200, s19;
	(ifvalue) =	ssetifvalue $0x7FFFFFFF  }
0x91: {  	[tilespmem:s20], [sflag:$0x1] =	stream.indirect_vreg.gather [hbm4b:s2+s11], $0x1, v2, vm0, $0x4038;
	[tilespmem:$0x4400] =	vst v63  }
0x92: {  	v2 =	vadd.s32 $0x7A1700, v0;
	(ifvalue) =	ssetifvalue $0x7FFFFFFF  }
0x93: {  	s20 =	sadd.s32 $0x1280, s19;
	(ifvalue) =	ssetifvalue $0x7FFFFFFF  }
0x94: {  	[tilespmem:s20], [sflag:$0x1] =	stream.indirect_vreg.gather [hbm4b:s2+s11], $0x1, v1, vm0, $0x4038;
	[tilespmem:$0x4400] =	vst v63  }
.Ltmp3:
0x95: {  	v0 =	vadd.s32 $0x7A1780, v0;
	(ifvalue) =	ssetifvalue $0x7FFFFFFF;
	(pc) =	sbr.rel @p1 .LBB2_3-.Ltmp3, $4  }
0x96: {  	s20 =	sadd.s32 $0x1300, s19;
	(ifvalue) =	ssetifvalue $0x7FFFFFFF  }
0x97: {  	[tilespmem:s20], [sflag:$0x1] =	stream.indirect_vreg.gather [hbm4b:s2+s11], $0x1, v2, vm0, $0x4038;
	[tilespmem:$0x4400] =	vst v63  }
0x98: {  	s17 =	sadd.s32 $0x10, s17;
	(ifvalue) =	ssetifvalue $0x7FFFFFFF  }
0x99: {  	s18 =	sadd.s32 $0x80, s18;
	s19 =	sadd.s32 $0x1380, s19;
	(ifvalue) =	ssetifvalue $0x7FFFFFFF  }
.Ltmp4:
0x9a: {  	_ = 	snop;
	(pc) =	sbr.rel .LBB2_4-.Ltmp4, $1  }
0x9b: {  	_ =	sdelay $0x3  }
.LBB2_6:
0x9c: {  	_ =	sfence.sel $0x180000  }
0x9d: {  	s2 =	simm.s32 $0x2;
	[bflag:$0x0] =	sbarrier.arrive $0xFFFF  }
0x9e: {  	s30 =	simm.s32 $0x3;
	[sflag:s2] =	ssyncpa.u1 $0x1  }
0x9f: {  	s31 =	simm.s32 $0x1;
	[sflag:s30] =	ssyncpa.u1 $0x1  }
0xa0: {  	[sflag:s31] =	ssyncpa.u1 $0x1  }
0xa1: {  	p0 =	sne.s32 s1, $0x0;
	_ =	strace $0x90000050  }
0xa2: {  	s0 =	sadd.s32 @!p0 $0x100000, s0;
	[bflag:$0x2] =	sbarrier.arrive $0xFFFF  }
0xa3: {  	[sflag:s0] =	ssyncadd.tile.s32 @!p0 $0x1;
	_ =	shalt  }
.Lfunc_end2:
_tile_overlayer_lowered:
.L_overlay_start_2:
0xa4: {  	(tag) =	ssettag $0x2  }
0xa5: {  	s0 =	rddreg [dreg:$0x0];
	s2 =	stileid.u32  }
0xa6: {  	s1 =	rddreg [dreg:$0x1];
	p0 =	sne.s32 s2, $0x0  }
0xa7: {  	s3 =	rddreg [dreg:$0x2];
	[bflag:$0x3] =	sbarrier.arrive $0xFFFF;
	s2 =	simm.s32 @!p0 $0x1C01  }
0xa8: {  	[timem:s3], [sflag:s2] =	dma.local @!p0 [hbm:s0], s1  }
0xa9: {  	s0 =	simm.s32 @!p0 $0x1  }
0xaa: {  	_ =	swait.ge @!p0 [sflag:s0], s1  }
0xab: {  	s1 =	ssub.s32 @!p0 $0x0, s1;
	[sflag:s0] =	ssyncset.done @!p0 $0x0  }
0xac: {  	[sflag:s0] =	ssyncadd.s32 @!p0 s1  }
0xad: {  	[bflag:$0x3] =	sbarrier.arrive $0xFFFF  }
0xae: {  	_ =	shalt  }

// kernel: gather_offload_async_start
scs
__scs_entry_jumppad:
0x0: {  	(pc) =	sbr.rel $0x88, $3  }
0x1: {  	(tag) =	ssettag $0x0;
	lr =	simm.s32 $0x1  }
0x2: {  	[smem:$0x3F94] =	sst lr;
	_ =	strace $0xD0000000  }
0x3: {  	_ = 	snop  }
0x4: {  	_ = 	snop  }
0x5: {  	_ = 	snop  }
0x6: {  	_ = 	snop  }
0x7: {  	_ = 	snop  }
__scs_overlays_trampoline_lowered:
0x8: {  	[smem:$0x3FA3] =	sst s0  }
0x9: {  	[smem:$0x3FA4] =	sst s1  }
0xa: {  	[smem:$0x3FA5] =	sst s2  }
0xb: {  	[smem:$0x3FA6] =	sst s3  }
0xc: {  	[smem:$0x3FA7] =	sst s4  }
0xd: {  	[smem:$0x3FA8] =	sst s5  }
0xe: {  	[smem:$0x3FA9] =	sst s6  }
0xf: {  	[smem:$0x3FAA] =	sst s7  }
0x10: {  	[smem:$0x3FAB] =	sst s8  }
0x11: {  	[smem:$0x3FAC] =	sst s9;
	s0 =	simm.s32 @!p0 $0x0  }
0x12: {  	s1 =	sld [smem:$0x3F92];
	s0 =	simm.s32 @p0 $0x1  }
0x13: {  	[smem:$0x3FAD] =	sst s0;
	s0 =	simm.s32 @!p1 $0x0  }
0x14: {  	s2 =	sld [smem:$0x3F91];
	s0 =	simm.s32 @p1 $0x1  }
0x15: {  	[smem:$0x3FAE] =	sst s0;
	s0 =	simm.s32 @!p2 $0x0  }
0x16: {  	s3 =	sld [smem:$0x3FDB];
	s0 =	simm.s32 @p2 $0x1  }
0x17: {  	s4 =	simm.s32 $0x1BF5;
	[smem:$0x3FB0] =	sst s0  }
0x18: {  	s0 =	sld [smem:$0x3F93];
	_ =	swait.ge [sflag:s4], $0x0  }
0x19: {  	s7 =	sld [smem:$0x3F94]  }
0x1a: {  	s8 =	sadd.s32 $0xFFFFE003, lr  }
0x1b: {  	s9 =	sadd.s32 $0xFFFFFEF7, lr;
	s5 =	simm.s32 $0xFFFFFFFF;
	p2 =	slt.u32 s8, $0xFFFFF086  }
0x1c: {  	p1 =	slt.u32 s9, $0xF7A;
	s5 =	simm.s32 @!p2 $0x0  }
0x1d: {  	s5 =	simm.s32 @p1 $0x1;
	p0 =	seq.s32 s7, s2  }
0x1e: {  	s7 =	smul.u32 @!p0 $0xF7A, s2;
	p2 =	seq.s32 @!p0 s5, $0x0  }
0x1f: {  	s9 =	smul.u32 $0xF7A, s1;
	s8 =	simm.s32 @!p0 $0x1BF5;
	p2 =	por !p2, p0  }
0x20: {  	[sflag:s8] =	ssyncset.s32 @!p0 $0xFFFFF086;
	s6 =	sadd.s32 @!p0 s3, s7;
	s7 =	simm.s32 @!p0 $0x108  }
0x21: {  	s3 =	sadd.s32 s3, s9;
	s6 =	sadd.s32 @!p0 $0x88, s6;
	s7 =	simm.s32 @p2 $0x1082  }
0x22: {  	[simem:s7], [sflag:s8] =	dma.local @!p0 [hbm:s6], $0xF7A  }
0x23: {  	s9 =	sor.u32 $0xD0000000, s2;
	s6 =	simm.s32 $0x108;
	_ =	swait.ge @!p0 [sflag:s8], $0x0  }
0x24: {  	s3 =	sadd.s32 $0x88, s3;
	s6 =	simm.s32 @!p1 $0x1082;
	[sflag:s4] =	ssyncset.s32 $0xFFFFF086  }
0x25: {  	[simem:s6], [sflag:s4] =	dma.local [hbm:s3], $0xF7A  }
0x26: {  	[smem:$0x3F94] =	sst s1;
	(tag) =	ssettag s2;
	_ =	strace s9  }
0x27: {  	s1 =	sld [smem:$0x3FA4]  }
0x28: {  	s2 =	sld [smem:$0x3FA5]  }
0x29: {  	s4 =	sld [smem:$0x3FA7]  }
0x2a: {  	p0 =	seq.s32 s5, $0x0;
	s5 =	sld [smem:$0x3FA8]  }
0x2b: {  	s6 =	sld [smem:$0x3FA9]  }
0x2c: {  	s7 =	sld [smem:$0x3FAA]  }
0x2d: {  	s3 =	simm.s32 $0x108;
	s8 =	sld [smem:$0x3FAB]  }
0x2e: {  	s3 =	simm.s32 @!p0 $0x1082;
	s9 =	sld [smem:$0x3FAC]  }
0x2f: {  	lr =	sadd.s32 s0, s3;
	s0 =	sld [smem:$0x3FA3]  }
0x30: {  	s3 =	sld [smem:$0x3FA6]  }
0x31: {  	[smem:$0x3FAF] =	sst s10  }
0x32: {  	s10 =	sld [smem:$0x3FAD];
	_ =	sdelay $0x3  }
0x33: {  	p0 =	seq.s32 s10, $0x1;
	s10 =	sld [smem:$0x3FAF];
	_ =	sdelay $0x3  }
0x34: {  	[smem:$0x3FAF] =	sst s10  }
0x35: {  	s10 =	sld [smem:$0x3FAE];
	_ =	sdelay $0x3  }
0x36: {  	p1 =	seq.s32 s10, $0x1;
	s10 =	sld [smem:$0x3FAF];
	_ =	sdelay $0x3  }
0x37: {  	[smem:$0x3FAF] =	sst s10  }
0x38: {  	s10 =	sld [smem:$0x3FB0]  }
0x39: {  	_ = 	snop;
	(pc) =	sbr.ind lr, $3  }
0x3a: {  	_ = 	snop  }
0x3b: {  	_ = 	snop  }
0x3c: {  	p2 =	seq.s32 s10, $0x1;
	s10 =	sld [smem:$0x3FAF]  }
0x3d: {  	_ =	shalt  }
0x3e: {  	_ =	shalt  }
0x3f: {  	_ =	shalt  }
0x40: {  	_ =	shalt  }
0x41: {  	_ =	shalt  }
0x42: {  	_ =	shalt  }
0x43: {  	_ =	shalt  }
0x44: {  	_ =	shalt  }
0x45: {  	_ =	shalt  }
0x46: {  	_ =	shalt  }
0x47: {  	_ =	shalt  }
0x48: {  	_ =	shalt  }
0x49: {  	_ =	shalt  }
0x4a: {  	_ =	shalt  }
0x4b: {  	_ =	shalt  }
0x4c: {  	_ =	shalt  }
0x4d: {  	_ =	shalt  }
0x4e: {  	_ =	shalt  }
0x4f: {  	_ =	shalt  }
0x50: {  	_ =	shalt  }
0x51: {  	_ =	shalt  }
0x52: {  	_ =	shalt  }
0x53: {  	_ =	shalt  }
0x54: {  	_ =	shalt  }
0x55: {  	_ =	shalt  }
0x56: {  	_ =	shalt  }
0x57: {  	_ =	shalt  }
0x58: {  	_ =	shalt  }
0x59: {  	_ =	shalt  }
0x5a: {  	_ =	shalt  }
0x5b: {  	_ =	shalt  }
0x5c: {  	_ =	shalt  }
0x5d: {  	_ =	shalt  }
0x5e: {  	_ =	shalt  }
0x5f: {  	_ =	shalt  }
0x60: {  	_ =	shalt  }
0x61: {  	_ =	shalt  }
0x62: {  	_ =	shalt  }
0x63: {  	_ =	shalt  }
0x64: {  	_ =	shalt  }
0x65: {  	_ =	shalt  }
0x66: {  	_ =	shalt  }
0x67: {  	_ =	shalt  }
0x68: {  	_ =	shalt  }
0x69: {  	_ =	shalt  }
0x6a: {  	_ =	shalt  }
0x6b: {  	_ =	shalt  }
0x6c: {  	_ =	shalt  }
0x6d: {  	_ =	shalt  }
0x6e: {  	_ =	shalt  }
0x6f: {  	_ =	shalt  }
0x70: {  	_ =	shalt  }
0x71: {  	_ =	shalt  }
0x72: {  	_ =	shalt  }
0x73: {  	_ =	shalt  }
0x74: {  	_ =	shalt  }
0x75: {  	_ =	shalt  }
0x76: {  	_ =	shalt  }
0x77: {  	_ =	shalt  }
0x78: {  	_ =	shalt  }
0x79: {  	_ =	shalt  }
0x7a: {  	_ =	shalt  }
0x7b: {  	_ =	shalt  }
0x7c: {  	_ =	shalt  }
0x7d: {  	_ =	shalt  }
0x7e: {  	_ =	shalt  }
0x7f: {  	_ =	shalt  }
0x80: {  	_ =	shalt  }
0x81: {  	_ =	shalt  }
0x82: {  	_ =	shalt  }
0x83: {  	_ =	shalt  }
0x84: {  	_ =	shalt  }
0x85: {  	_ =	shalt  }
0x86: {  	_ =	shalt  }
0x87: {  	_ =	shalt  }
.Lfunc_end0:
.L_simem_size_0:
called_computation_lowered:
.L_overlay_start_0:
0x88: {  	s2 =	sld [smem:$0x3FD9]  }
0x89: {  	s3 =	sld [smem:$0x3FFE];
	_ =	sdelay $0x1  }
0x8a: {  	s1 =	srdreg.scid  }
0x8b: {  	s0 =	sand.u32 $0x1, s1  }
0x8c: {  	s17 =	sshll.u32 s0, $0xA;
	s2 =	sadd.s32 s3, s2  }
0x8d: {  	s2 =	sadd.s32 s2, s17  }
0x8e: {  	[smem:$0x3FBB] =	sst s2  }
0x8f: {  	_ = 	snop  }
0x90: {  	s2 =	sld [smem:$0x3FC6];
	(tm) =	ssettm $0x1  }
0x91: {  	s18 =	sld [smem:$0x3FFB];
	_ =	sdelay $0x3  }
0x92: {  	_ =	strace s18  }
0x93: {  	s3 =	sld [smem:$0x3FFC];
	_ =	sdelay $0x3  }
0x94: {  	_ =	strace s3  }
0x95: {  	s3 =	sld [smem:$0x3FFD];
	_ =	sdelay $0x3  }
0x96: {  	_ =	strace s3  }
0x97: {  	_ =	strace $0x8FFFFFFF  }
0x98: {  	s19 =	sld [smem:$0x3FDB];
	_ =	sdelay $0x1  }
0x99: {  	s4 =	simm.s32 $_scs_section_size  }
0x9a: {  	s5 =	simm.s32 $_size__tile_overlayer_lowered;
	s6 =	simm.s32 $_tile_overlayer_lowered  }
0x9b: {  	s22 =	simm.s32 $0x1BFF;
	s21 =	sshll.u32 s6, $0x1;
	s3 =	sadd.s32 s4, s19  }
0x9c: {  	s7 =	simm.s32 $0x0;
	s20 =	sshll.u32 s5, $0x1;
	s5 =	sadd.s32 s21, s3  }
0x9d: {  	[timem:s7], [sflag:s22] =	dma.local [hbm:s5], s20  }
0x9e: {  	_ =	swait.ge [sflag:s22], s20  }
0x9f: {  	s4 =	ssub.s32 $0x0, s20;
	[sflag:s22] =	ssyncset.done $0x0  }
0xa0: {  	[sflag:s22] =	ssyncadd.s32 s4;
	_ =	sdelay $0x1  }
0xa1: {  	s23 =	simm.s32 $0x1B8B  }
0xa2: {  	_ =	swait.ge [sflag:s23], $0x1  }
0xa3: {  	[sflag:s23] =	ssyncset.done $0x0  }
0xa4: {  	s25 =	simm.s32 $0x1B8E;
	s24 =	sld [smem:$0x3FFE];
	[sflag:s23] =	ssyncadd.s32 $0xFFFFFFFF  }
0xa5: {  	s26 =	simm.s32 $execute0_lowered;
	[smem:$0x3FD2] =	sst s25  }
0xa6: {  	s5 =	sshll.u32 s26, $0x1;
	_ =	strace $0x80000046;
	[dreg:$0x1] =	wrdreg $0xFFFFFFFF  }
0xa7: {  	s28 =	simm.s32 $_size_execute0_lowered;
	s3 =	sadd.s32 s3, s5;
	[dreg:$0x0] =	wrdreg $0x0  }
0xa8: {  	s5 =	sshll.u32 s28, $0x1;
	[dreg:$0x2] =	wrdreg s3  }
0xa9: {  	[dreg:$0x3] =	wrdreg s5  }
0xaa: {  	[dreg:$0x4] =	wrdreg $0xC0  }
0xab: {  	_ =	task [dreg:s7], $0x5FFFF  }
0xac: {  	[dreg:$0x1] =	wrdreg $0xFFFFFFFF  }
0xad: {  	[dreg:$0x0] =	wrdreg $0x60  }
0xae: {  	[dreg:$0x2] =	wrdreg s2  }
0xaf: {  	[dreg:$0x3] =	wrdreg s24  }
0xb0: {  	[dreg:$0x4] =	wrdreg $0x9  }
0xb1: {  	_ =	task.clear_ibuf [dreg:s7], $0x5FFFF;
	_ =	strace $0x90000046  }
0xb2: {  	s29 =	simm.s32 $0x9;
	_ =	strace $0x80000048  }
0xb3: {  	_ =	swait.ge [sflag:s29], $0x1  }
0xb4: {  	[sflag:s29] =	ssyncadd.s32 $0xFFFFFFFF  }
0xb5: {  	_ =	strace $0x90000048  }
0xb6: {  	_ =	sfence  }
0xb7: {  	s30 =	sld [smem:$0x0];
	_ =	sdelay $0x2  }
0xb8: {  	s31 =	sshll.u32 s1, $0xD;
	s1 =	sshrl.u32 s1, $0x2  }
0xb9: {  	s3 =	sand.u32 $0x4000, s31;
	s1 =	sadd.s32 s1, s30  }
0xba: {  	s0 =	sor.u32 s3, s0;
	s1 =	sshll.u32 s1, $0x11  }
0xbb: {  	s0 =	sor.u32 s1, s0  }
0xbc: {  	s0 =	sadd.s32 $0x8F2B, s0  }
0xbd: {  	[sflag:s0] =	ssyncadd.remote.s32 $0x1  }
0xbe: {  	_ =	sfence.sel $0xFFFF  }
0xbf: {  	[dreg:$0x0] =	wrdreg $0xFFFFFFFF;
	(pc) =	sbr.abs _section_cstart, $3  }
0xc0: {  	[dreg:$0x1] =	wrdreg $0xFFFFFFFF  }
0xc1: {  	_ =	task.clear_ibuf [dreg:s7], $0x2FFFF;
	_ =	strace $0x9FFFFFFF  }
0xc2: {  	(tm) =	ssettm $0x7FFFFFFF  }
0xc3: {  	_ =	shalt  }
tec
execute0_lowered:
.L_overlay_start_1:
0x0: {  	(tag) =	ssettag $0x1  }
0x1: {  	s1 =	srdreg.scid  }
0x2: {  	s2 =	rddreg [dreg:$0x0];
	s0 =	stileid.u32  }
0x3: {  	s11 =	rddreg [dreg:$0x1];
	s5 =	simm.s32 $0x2;
	s1 =	sshll.u32 s1, $0x9  }
0x4: {  	s9 =	simm.s32 $0x3;
	s3 =	sshll.u32 s0, $0xA;
	s4 =	sand.u32 $0x200, s1  }
0x5: {  	s13 =	simm.s32 $0x0;
	s15 =	simm.s32 $0x0;
	s3 =	sor.u32 s3, s4  }
0x6: {  	s14 =	simm.s32 $0x0;
	s1 =	rddreg [dreg:$0x2];
	s4 =	sshrl.u32 s3, $0x3  }
0x7: {  	_ =	strace $0x80000047;
	s6 =	ssub.s32 $0x4000, s3;
	s8 =	sadd.s32 s4, s11  }
0x8: {  	s4 =	simm.s32 $0x1;
	s7 =	sand.u32 $0x3E00, s6;
	s10 =	sshrl.u32 s6, $0xE  }
.Ltmp0:
0x9: {  	s6 =	sadd.s32 $0x3400, s11;
	[sflag:s4] =	ssyncpa.u1 $0x0;
	(pc) =	sbr.rel .LBB2_1-.Ltmp0, $4  }
0xa: {  	p0 =	sne.s32 s7, $0x0;
	s7 =	simm.s32 $0x1;
	s8 =	sadd.s32 $0x2C00, s8  }
0xb: {  	[sflag:s5] =	ssyncpa.u1 $0x0;
	s7 =	simm.s32 @!p0 $0x0;
	p0 =	por $0x0, $0x0  }
0xc: {  	[sflag:s9] =	ssyncpa.u1 $0x0;
	s7 =	sadd.s32 s7, s10;
	s9 =	sadd.s32 $0x7400, s11  }
0xd: {  	vm0 =	vmmov $0xffff;
	s10 =	sadd.s32 $0xB400, s11;
	s11 =	sadd.s32 $0xF400, s11;
	s12 =	sadd.s32 $0x1, s7  }
.LBB2_4:
0xe: {  	_ =	sdelay $0x3  }
0xf: {  	[tilespmem:s21], [sflag:$0x1] =	stream.indirect_vreg.gather [hbm4b:s2+s13], $0x1, v0, vm0, $0x4038;
	[tilespmem:$0x8400] =	vst v63  }
0x10: {  	s18 =	sshll.u32 s15, $0x3  }
0x11: {  	s24 =	sand.u32 $0x78, s15;
	s18 =	sand.u32 $0x7FFFFC00, s18  }
0x12: {  	_ =	swait.ge [sflag:s4], $0x4000;
	s15 =	sor.u32 s24, s18  }
0x13: {  	[sflag:s4] =	ssyncset.done $0x0;
	s15 =	sshrl.u32 s15, $0x3  }
0x14: {  	[sflag:s4] =	ssyncadd.s32 $0xFFFFC000;
	s25 =	sadd.s32 s6, s15  }
0x15: {  	[hbm:s25] =	stream.linear.scatter [tilespmem:s17], [sflag:$0x3], $0x1000, $0x38;
	[tilespmem:$0x8400] =	vst v63  }
0x16: {  	s26 =	sadd.s32 $0x1400, s16;
	s28 =	sadd.s32 s15, s9  }
0x17: {  	[hbm:s28] =	stream.linear.scatter [tilespmem:s26], [sflag:$0x3], $0x1000, $0x38;
	[tilespmem:$0x8400] =	vst v63  }
0x18: {  	s29 =	sadd.s32 $0x2400, s16;
	s30 =	sadd.s32 s15, s10  }
0x19: {  	[hbm:s30] =	stream.linear.scatter [tilespmem:s29], [sflag:$0x3], $0x1000, $0x38;
	[tilespmem:$0x8400] =	vst v63  }
0x1a: {  	s31 =	sadd.s32 $0x3400, s16;
	s15 =	sadd.s32 s15, s11  }
0x1b: {  	[hbm:s15] =	stream.linear.scatter [tilespmem:s31], [sflag:$0x3], $0x1000, $0x38;
	[tilespmem:$0x8400] =	vst v63  }
.LBB2_5:
0x1c: {  	p2 =	sne.s32 s14, s12  }
.Ltmp1:
0x1d: {  	p1 =	slt.u32 s14, $0x2;
	(pc) =	sbr.rel @!p2 .LBB2_6-.Ltmp1, $4  }
0x1e: {  	s15 =	simm.s32 @!p1 $0x3  }
0x1f: {  	_ =	swait.ge @!p1 [sflag:s15], $0x4000  }
0x20: {  	s16 =	sadd.s32 $0x1, s14;
	p0 =	por !p0, !p0;
	[sflag:s15] =	ssyncset.done @!p1 $0x0  }
0x21: {  	s14 =	smov.u32 s16;
	[sflag:s15] =	ssyncadd.s32 @!p1 $0xFFFFC000;
	s15 =	smov.u32 s3  }
.LBB2_1:
0x22: {  	p1 =	sge.u32 s14, s7  }
0x23: {  	s16 =	sxor.u32 @!p1 $0xFFFFFFFF, s14  }
0x24: {  	s16 =	sshll.u32 @!p1 s16, $0x9  }
0x25: {  	s31 =	sadd.s32 $0xFFFFFFFF, s14;
	s17 =	simm.s32 @!p1 $0x0;
	s16 =	sand.u32 @!p1 $0x200, s16  }
0x26: {  	[tilespmem:s16], [sflag:$0x2] =	stream.linear.gather @!p1 [hbm4b:s8+s17], $0x200, $0x38;
	[tilespmem:$0x8400] =	vst v63  }
0x27: {  	p1 =	sge.u32 s31, s7  }
.Ltmp2:
0x28: {  	_ = 	snop;
	(pc) =	sbr.rel @p1 .LBB2_5-.Ltmp2, $1  }
0x29: {  	_ =	sdelay $0x3  }
0x2a: {  	s16 =	simm.s32 $0x1;
	_ =	swait.ge [sflag:s5], $0x200  }
0x2b: {  	s16 =	simm.s32 @!p0 $0x0;
	[sflag:s5] =	ssyncset.done $0x0  }
0x2c: {  	s19 =	sshll.u32 s16, $0x9;
	[sflag:s5] =	ssyncadd.s32 $0xFFFFFE00  }
0x2d: {  	v0 =	vld.msk [tilespmem:s19+$0x0 ss:$0x1], $0xffff;
	_ =	sdelay $0x4  }
0x2e: {  	vm1 =	vgt.s32 v0, $0x0  }
0x2f: {  	v0 =	vnsel vm1, $0x0, v0  }
0x30: {  	v0 =	vmin.u32 v0, $0xF4240  }
0x31: {  	v1 =	vshll.u32 v0, $0x3  }
0x32: {  	v0 =	vand.u32 $0x7F, v0;
	v1 =	vand.u32 $0x7FFC00, v1  }
0x33: {  	s22 =	sshll.u32 s14, $0xE;
	v0 =	vor.u32 v0, v1  }
0x34: {  	s18 =	simm.s32 $0x0;
	s16 =	sand.u32 $0x4000, s22  }
0x35: {  	s20 =	sand.u32 $0xC00, s18;
	s17 =	sor.u32 $0x400, s16  }
0x36: {  	s21 =	sand.u32 $0x70, s18;
	(ifvalue) =	ssetifvalue $0x7FFFFFFF;
	s20 =	sadd.s32 s20, s17;
	v1 =	vor.u32 $0x80, v0  }
0x37: {  	(ifvalue) =	ssetifvalue $0x7FFFFFFF;
	s20 =	sadd.s32 s21, s20  }
0x38: {  	[tilespmem:s20], [sflag:$0x1] =	stream.indirect_vreg.gather [hbm4b:s2+s13], $0x1, v0, vm0, $0x4038;
	[tilespmem:$0x8400] =	vst v63  }
0x39: {  	v2 =	vor.u32 $0x100, v0;
	(ifvalue) =	ssetifvalue $0x7FFFFFFF  }
0x3a: {  	s21 =	sadd.s32 $0x80, s20;
	(ifvalue) =	ssetifvalue $0x7FFFFFFF  }
0x3b: {  	[tilespmem:s21], [sflag:$0x1] =	stream.indirect_vreg.gather [hbm4b:s2+s13], $0x1, v1, vm0, $0x4038;
	[tilespmem:$0x8400] =	vst v63  }
0x3c: {  	v1 =	vor.u32 $0x180, v0;
	(ifvalue) =	ssetifvalue $0x7FFFFFFF  }
0x3d: {  	s23 =	sadd.s32 $0x100, s20;
	(ifvalue) =	ssetifvalue $0x7FFFFFFF  }
0x3e: {  	[tilespmem:s23], [sflag:$0x1] =	stream.indirect_vreg.gather [hbm4b:s2+s13], $0x1, v2, vm0, $0x4038;
	[tilespmem:$0x8400] =	vst v63  }
0x3f: {  	v2 =	vor.u32 $0x200, v0;
	(ifvalue) =	ssetifvalue $0x7FFFFFFF  }
0x40: {  	s24 =	sadd.s32 $0x180, s20;
	(ifvalue) =	ssetifvalue $0x7FFFFFFF  }
0x41: {  	[tilespmem:s24], [sflag:$0x1] =	stream.indirect_vreg.gather [hbm4b:s2+s13], $0x1, v1, vm0, $0x4038;
	[tilespmem:$0x8400] =	vst v63  }
0x42: {  	(ifvalue) =	ssetifvalue $0x7FFFFFFF;
	v1 =	vor.u32 $0x280, v0  }
0x43: {  	s25 =	sadd.s32 $0x200, s20;
	(ifvalue) =	ssetifvalue $0x7FFFFFFF  }
0x44: {  	[tilespmem:s25], [sflag:$0x1] =	stream.indirect_vreg.gather [hbm4b:s2+s13], $0x1, v2, vm0, $0x4038;
	[tilespmem:$0x8400] =	vst v63  }
0x45: {  	(ifvalue) =	ssetifvalue $0x7FFFFFFF;
	v2 =	vor.u32 $0x300, v0  }
0x46: {  	s26 =	sadd.s32 $0x280, s20;
	(ifvalue) =	ssetifvalue $0x7FFFFFFF  }
0x47: {  	[tilespmem:s26], [sflag:$0x1] =	stream.indirect_vreg.gather [hbm4b:s2+s13], $0x1, v1, vm0, $0x4038;
	[tilespmem:$0x8400] =	vst v63  }
0x48: {  	(ifvalue) =	ssetifvalue $0x7FFFFFFF;
	v1 =	vor.u32 $0x380, v0  }
0x49: {  	s18 =	sor.u32 s18, s18;
	s28 =	sadd.s32 $0x300, s20;
	(ifvalue) =	ssetifvalue $0x7FFFFFFF  }
0x4a: {  	[tilespmem:s28], [sflag:$0x1] =	stream.indirect_vreg.gather [hbm4b:s2+s13], $0x1, v2, vm0, $0x4038;
	[tilespmem:$0x8400] =	vst v63  }
0x4b: {  	s18 =	sor.u32 $0x380, s18;
	(ifvalue) =	ssetifvalue $0x7FFFFFFF;
	v2 =	vadd.s32 $0x7A1400, v0  }
0x4c: {  	s18 =	sadd.s32 s18, s17;
	(ifvalue) =	ssetifvalue $0x7FFFFFFF  }
0x4d: {  	[tilespmem:s18], [sflag:$0x1] =	stream.indirect_vreg.gather [hbm4b:s2+s13], $0x1, v1, vm0, $0x4038;
	[tilespmem:$0x8400] =	vst v63  }
0x4e: {  	(ifvalue) =	ssetifvalue $0x7FFFFFFF;
	v1 =	vadd.s32 $0x7A1480, v0  }
0x4f: {  	s29 =	sadd.s32 $0x1000, s20;
	(ifvalue) =	ssetifvalue $0x7FFFFFFF  }
0x50: {  	[tilespmem:s29], [sflag:$0x1] =	stream.indirect_vreg.gather [hbm4b:s2+s13], $0x1, v2, vm0, $0x4038;
	[tilespmem:$0x8400] =	vst v63  }
0x51: {  	(ifvalue) =	ssetifvalue $0x7FFFFFFF;
	v2 =	vadd.s32 $0x7A1500, v0  }
0x52: {  	s30 =	sadd.s32 $0x1080, s20;
	(ifvalue) =	ssetifvalue $0x7FFFFFFF  }
0x53: {  	[tilespmem:s30], [sflag:$0x1] =	stream.indirect_vreg.gather [hbm4b:s2+s13], $0x1, v1, vm0, $0x4038;
	[tilespmem:$0x8400] =	vst v63  }
0x54: {  	(ifvalue) =	ssetifvalue $0x7FFFFFFF;
	v1 =	vadd.s32 $0x7A1580, v0  }
0x55: {  	s31 =	sadd.s32 $0x1100, s20;
	(ifvalue) =	ssetifvalue $0x7FFFFFFF  }
0x56: {  	[tilespmem:s31], [sflag:$0x1] =	stream.indirect_vreg.gather [hbm4b:s2+s13], $0x1, v2, vm0, $0x4038;
	[tilespmem:$0x8400] =	vst v63  }
0x57: {  	(ifvalue) =	ssetifvalue $0x7FFFFFFF;
	v2 =	vadd.s32 $0x7A1600, v0  }
0x58: {  	s21 =	sadd.s32 $0x1180, s20;
	(ifvalue) =	ssetifvalue $0x7FFFFFFF  }
0x59: {  	[tilespmem:s21], [sflag:$0x1] =	stream.indirect_vreg.gather [hbm4b:s2+s13], $0x1, v1, vm0, $0x4038;
	[tilespmem:$0x8400] =	vst v63  }
0x5a: {  	(ifvalue) =	ssetifvalue $0x7FFFFFFF;
	v1 =	vadd.s32 $0x7A1680, v0  }
0x5b: {  	s22 =	sadd.s32 $0x1200, s20;
	(ifvalue) =	ssetifvalue $0x7FFFFFFF  }
0x5c: {  	[tilespmem:s22], [sflag:$0x1] =	stream.indirect_vreg.gather [hbm4b:s2+s13], $0x1, v2, vm0, $0x4038;
	[tilespmem:$0x8400] =	vst v63  }
0x5d: {  	(ifvalue) =	ssetifvalue $0x7FFFFFFF;
	v2 =	vadd.s32 $0x7A1700, v0  }
0x5e: {  	s23 =	sadd.s32 $0x1280, s20;
	(ifvalue) =	ssetifvalue $0x7FFFFFFF  }
0x5f: {  	[tilespmem:s23], [sflag:$0x1] =	stream.indirect_vreg.gather [hbm4b:s2+s13], $0x1, v1, vm0, $0x4038;
	[tilespmem:$0x8400] =	vst v63  }
0x60: {  	(ifvalue) =	ssetifvalue $0x7FFFFFFF;
	v1 =	vadd.s32 $0x7A1780, v0  }
0x61: {  	s24 =	sadd.s32 $0x1300, s20;
	(ifvalue) =	ssetifvalue $0x7FFFFFFF  }
0x62: {  	[tilespmem:s24], [sflag:$0x1] =	stream.indirect_vreg.gather [hbm4b:s2+s13], $0x1, v2, vm0, $0x4038;
	[tilespmem:$0x8400] =	vst v63  }
0x63: {  	(ifvalue) =	ssetifvalue $0x7FFFFFFF;
	v2 =	vadd.s32 $0xF42800, v0  }
0x64: {  	s25 =	sadd.s32 $0x1380, s20;
	(ifvalue) =	ssetifvalue $0x7FFFFFFF  }
0x65: {  	[tilespmem:s25], [sflag:$0x1] =	stream.indirect_vreg.gather [hbm4b:s2+s13], $0x1, v1, vm0, $0x4038;
	[tilespmem:$0x8400] =	vst v63  }
0x66: {  	(ifvalue) =	ssetifvalue $0x7FFFFFFF;
	v1 =	vadd.s32 $0xF42880, v0  }
0x67: {  	s26 =	sadd.s32 $0x2000, s20;
	(ifvalue) =	ssetifvalue $0x7FFFFFFF  }
0x68: {  	[tilespmem:s26], [sflag:$0x1] =	stream.indirect_vreg.gather [hbm4b:s2+s13], $0x1, v2, vm0, $0x4038;
	[tilespmem:$0x8400] =	vst v63  }
0x69: {  	(ifvalue) =	ssetifvalue $0x7FFFFFFF;
	v2 =	vadd.s32 $0xF42900, v0  }
0x6a: {  	s28 =	sadd.s32 $0x2080, s20;
	(ifvalue) =	ssetifvalue $0x7FFFFFFF  }
0x6b: {  	[tilespmem:s28], [sflag:$0x1] =	stream.indirect_vreg.gather [hbm4b:s2+s13], $0x1, v1, vm0, $0x4038;
	[tilespmem:$0x8400] =	vst v63  }
0x6c: {  	(ifvalue) =	ssetifvalue $0x7FFFFFFF;
	v1 =	vadd.s32 $0xF42980, v0  }
0x6d: {  	s29 =	sadd.s32 $0x2100, s20;
	(ifvalue) =	ssetifvalue $0x7FFFFFFF  }
0x6e: {  	[tilespmem:s29], [sflag:$0x1] =	stream.indirect_vreg.gather [hbm4b:s2+s13], $0x1, v2, vm0, $0x4038;
	[tilespmem:$0x8400] =	vst v63  }
0x6f: {  	(ifvalue) =	ssetifvalue $0x7FFFFFFF;
	v2 =	vadd.s32 $0xF42A00, v0  }
0x70: {  	s30 =	sadd.s32 $0x2180, s20;
	(ifvalue) =	ssetifvalue $0x7FFFFFFF  }
0x71: {  	[tilespmem:s30], [sflag:$0x1] =	stream.indirect_vreg.gather [hbm4b:s2+s13], $0x1, v1, vm0, $0x4038;
	[tilespmem:$0x8400] =	vst v63  }
0x72: {  	(ifvalue) =	ssetifvalue $0x7FFFFFFF;
	v1 =	vadd.s32 $0xF42A80, v0  }
0x73: {  	s31 =	sadd.s32 $0x2200, s20;
	(ifvalue) =	ssetifvalue $0x7FFFFFFF  }
0x74: {  	[tilespmem:s31], [sflag:$0x1] =	stream.indirect_vreg.gather [hbm4b:s2+s13], $0x1, v2, vm0, $0x4038;
	[tilespmem:$0x8400] =	vst v63  }
0x75: {  	(ifvalue) =	ssetifvalue $0x7FFFFFFF;
	v2 =	vadd.s32 $0xF42B00, v0  }
0x76: {  	s21 =	sadd.s32 $0x2280, s20;
	(ifvalue) =	ssetifvalue $0x7FFFFFFF  }
0x77: {  	[tilespmem:s21], [sflag:$0x1] =	stream.indirect_vreg.gather [hbm4b:s2+s13], $0x1, v1, vm0, $0x4038;
	[tilespmem:$0x8400] =	vst v63  }
0x78: {  	(ifvalue) =	ssetifvalue $0x7FFFFFFF;
	v1 =	vadd.s32 $0xF42B80, v0  }
0x79: {  	s22 =	sadd.s32 $0x2300, s20;
	(ifvalue) =	ssetifvalue $0x7FFFFFFF  }
0x7a: {  	[tilespmem:s22], [sflag:$0x1] =	stream.indirect_vreg.gather [hbm4b:s2+s13], $0x1, v2, vm0, $0x4038;
	[tilespmem:$0x8400] =	vst v63  }
0x7b: {  	(ifvalue) =	ssetifvalue $0x7FFFFFFF;
	v2 =	vadd.s32 $0x16E3C00, v0  }
0x7c: {  	s23 =	sadd.s32 $0x2380, s20;
	(ifvalue) =	ssetifvalue $0x7FFFFFFF  }
0x7d: {  	[tilespmem:s23], [sflag:$0x1] =	stream.indirect_vreg.gather [hbm4b:s2+s13], $0x1, v1, vm0, $0x4038;
	[tilespmem:$0x8400] =	vst v63  }
0x7e: {  	(ifvalue) =	ssetifvalue $0x7FFFFFFF;
	v1 =	vadd.s32 $0x16E3C80, v0  }
0x7f: {  	s24 =	sadd.s32 $0x3000, s20;
	(ifvalue) =	ssetifvalue $0x7FFFFFFF  }
0x80: {  	[tilespmem:s24], [sflag:$0x1] =	stream.indirect_vreg.gather [hbm4b:s2+s13], $0x1, v2, vm0, $0x4038;
	[tilespmem:$0x8400] =	vst v63  }
0x81: {  	(ifvalue) =	ssetifvalue $0x7FFFFFFF;
	v2 =	vadd.s32 $0x16E3D00, v0  }
0x82: {  	s25 =	sadd.s32 $0x3080, s20;
	(ifvalue) =	ssetifvalue $0x7FFFFFFF  }
0x83: {  	[tilespmem:s25], [sflag:$0x1] =	stream.indirect_vreg.gather [hbm4b:s2+s13], $0x1, v1, vm0, $0x4038;
	[tilespmem:$0x8400] =	vst v63  }
0x84: {  	(ifvalue) =	ssetifvalue $0x7FFFFFFF;
	v1 =	vadd.s32 $0x16E3D80, v0  }
0x85: {  	s26 =	sadd.s32 $0x3100, s20;
	(ifvalue) =	ssetifvalue $0x7FFFFFFF  }
0x86: {  	[tilespmem:s26], [sflag:$0x1] =	stream.indirect_vreg.gather [hbm4b:s2+s13], $0x1, v2, vm0, $0x4038;
	[tilespmem:$0x8400] =	vst v63  }
0x87: {  	(ifvalue) =	ssetifvalue $0x7FFFFFFF;
	v2 =	vadd.s32 $0x16E3E00, v0  }
0x88: {  	s28 =	sadd.s32 $0x3180, s20;
	(ifvalue) =	ssetifvalue $0x7FFFFFFF  }
0x89: {  	[tilespmem:s28], [sflag:$0x1] =	stream.indirect_vreg.gather [hbm4b:s2+s13], $0x1, v1, vm0, $0x4038;
	[tilespmem:$0x8400] =	vst v63  }
0x8a: {  	(ifvalue) =	ssetifvalue $0x7FFFFFFF;
	v1 =	vadd.s32 $0x16E3E80, v0  }
0x8b: {  	s29 =	sadd.s32 $0x3200, s20;
	(ifvalue) =	ssetifvalue $0x7FFFFFFF  }
0x8c: {  	[tilespmem:s29], [sflag:$0x1] =	stream.indirect_vreg.gather [hbm4b:s2+s13], $0x1, v2, vm0, $0x4038;
	[tilespmem:$0x8400] =	vst v63  }
0x8d: {  	(ifvalue) =	ssetifvalue $0x7FFFFFFF;
	v2 =	vadd.s32 $0x16E3F00, v0  }
0x8e: {  	s30 =	sadd.s32 $0x3280, s20;
	(ifvalue) =	ssetifvalue $0x7FFFFFFF  }
0x8f: {  	[tilespmem:s30], [sflag:$0x1] =	stream.indirect_vreg.gather [hbm4b:s2+s13], $0x1, v1, vm0, $0x4038;
	[tilespmem:$0x8400] =	vst v63  }
0x90: {  	v0 =	vadd.s32 $0x16E3F80, v0;
	(ifvalue) =	ssetifvalue $0x7FFFFFFF  }
0x91: {  	s31 =	sadd.s32 $0x3300, s20;
	(ifvalue) =	ssetifvalue $0x7FFFFFFF  }
0x92: {  	[tilespmem:s31], [sflag:$0x1] =	stream.indirect_vreg.gather [hbm4b:s2+s13], $0x1, v2, vm0, $0x4038;
	[tilespmem:$0x8400] =	vst v63  }
0x93: {  	s19 =	sadd.s32 $0x10, s19;
	s18 =	simm.s32 $0x10;
	(ifvalue) =	ssetifvalue $0x7FFFFFFF  }
0x94: {  	s21 =	sadd.s32 $0x3380, s20;
	s20 =	simm.s32 $0x80;
	(ifvalue) =	ssetifvalue $0x7FFFFFFF  }
.LBB2_3:
0x95: {  	[tilespmem:s21], [sflag:$0x1] =	stream.indirect_vreg.gather [hbm4b:s2+s13], $0x1, v0, vm0, $0x4038;
	[tilespmem:$0x8400] =	vst v63  }
0x96: {  	p1 =	sne.s32 s18, $0x1F0;
	s22 =	smov.u32 s18;
	s18 =	sadd.s32 $0x10, s18;
	v0 =	vld.msk [tilespmem:s19+$0x0 ss:$0x1], $0xffff  }
0x97: {  	(ifvalue) =	ssetifvalue $0x7FFFFFFF;
	_ =	sdelay $0x4  }
0x98: {  	vm1 =	vgt.s32 v0, $0x0  }
0x99: {  	v0 =	vnsel vm1, $0x0, v0  }
0x9a: {  	v0 =	vmin.u32 v0, $0xF4240  }
0x9b: {  	v1 =	vshll.u32 v0, $0x3  }
0x9c: {  	v0 =	vand.u32 $0x7F, v0;
	v1 =	vand.u32 $0x7FFC00, v1  }
0x9d: {  	v0 =	vor.u32 v0, v1;
	_ =	sdelay $0x1  }
0x9e: {  	s21 =	sand.u32 $0xC00, s20  }
0x9f: {  	s23 =	sand.u32 $0x70, s22;
	s21 =	sadd.s32 s21, s17;
	v1 =	vor.u32 $0x80, v0  }
0xa0: {  	s21 =	sadd.s32 s23, s21;
	(ifvalue) =	ssetifvalue $0x7FFFFFFF  }
0xa1: {  	[tilespmem:s21], [sflag:$0x1] =	stream.indirect_vreg.gather [hbm4b:s2+s13], $0x1, v0, vm0, $0x4038;
	[tilespmem:$0x8400] =	vst v63  }
0xa2: {  	v2 =	vor.u32 $0x100, v0;
	(ifvalue) =	ssetifvalue $0x7FFFFFFF  }
0xa3: {  	s23 =	sadd.s32 $0x80, s21;
	(ifvalue) =	ssetifvalue $0x7FFFFFFF  }
0xa4: {  	[tilespmem:s23], [sflag:$0x1] =	stream.indirect_vreg.gather [hbm4b:s2+s13], $0x1, v1, vm0, $0x4038;
	[tilespmem:$0x8400] =	vst v63  }
0xa5: {  	v1 =	vor.u32 $0x180, v0;
	(ifvalue) =	ssetifvalue $0x7FFFFFFF  }
0xa6: {  	s23 =	sadd.s32 $0x100, s21;
	(ifvalue) =	ssetifvalue $0x7FFFFFFF  }
0xa7: {  	[tilespmem:s23], [sflag:$0x1] =	stream.indirect_vreg.gather [hbm4b:s2+s13], $0x1, v2, vm0, $0x4038;
	[tilespmem:$0x8400] =	vst v63  }
0xa8: {  	v2 =	vor.u32 $0x200, v0;
	(ifvalue) =	ssetifvalue $0x7FFFFFFF  }
0xa9: {  	s23 =	sadd.s32 $0x180, s21;
	(ifvalue) =	ssetifvalue $0x7FFFFFFF  }
0xaa: {  	[tilespmem:s23], [sflag:$0x1] =	stream.indirect_vreg.gather [hbm4b:s2+s13], $0x1, v1, vm0, $0x4038;
	[tilespmem:$0x8400] =	vst v63  }
0xab: {  	v1 =	vor.u32 $0x280, v0;
	(ifvalue) =	ssetifvalue $0x7FFFFFFF  }
0xac: {  	s23 =	sadd.s32 $0x200, s21;
	(ifvalue) =	ssetifvalue $0x7FFFFFFF  }
0xad: {  	[tilespmem:s23], [sflag:$0x1] =	stream.indirect_vreg.gather [hbm4b:s2+s13], $0x1, v2, vm0, $0x4038;
	[tilespmem:$0x8400] =	vst v63  }
0xae: {  	v2 =	vor.u32 $0x300, v0;
	(ifvalue) =	ssetifvalue $0x7FFFFFFF  }
0xaf: {  	s23 =	sadd.s32 $0x280, s21;
	(ifvalue) =	ssetifvalue $0x7FFFFFFF  }
0xb0: {  	[tilespmem:s23], [sflag:$0x1] =	stream.indirect_vreg.gather [hbm4b:s2+s13], $0x1, v1, vm0, $0x4038;
	[tilespmem:$0x8400] =	vst v63  }
0xb1: {  	v1 =	vor.u32 $0x380, v0;
	(ifvalue) =	ssetifvalue $0x7FFFFFFF  }
0xb2: {  	s22 =	sor.u32 s20, s22;
	s23 =	sadd.s32 $0x300, s21;
	(ifvalue) =	ssetifvalue $0x7FFFFFFF  }
0xb3: {  	[tilespmem:s23], [sflag:$0x1] =	stream.indirect_vreg.gather [hbm4b:s2+s13], $0x1, v2, vm0, $0x4038;
	[tilespmem:$0x8400] =	vst v63  }
0xb4: {  	s22 =	sor.u32 $0x380, s22;
	v2 =	vadd.s32 $0x7A1400, v0;
	(ifvalue) =	ssetifvalue $0x7FFFFFFF  }
0xb5: {  	s22 =	sadd.s32 s22, s17;
	(ifvalue) =	ssetifvalue $0x7FFFFFFF  }
0xb6: {  	[tilespmem:s22], [sflag:$0x1] =	stream.indirect_vreg.gather [hbm4b:s2+s13], $0x1, v1, vm0, $0x4038;
	[tilespmem:$0x8400] =	vst v63  }
0xb7: {  	v1 =	vadd.s32 $0x7A1480, v0;
	(ifvalue) =	ssetifvalue $0x7FFFFFFF  }
0xb8: {  	s22 =	sadd.s32 $0x1000, s21;
	(ifvalue) =	ssetifvalue $0x7FFFFFFF  }
0xb9: {  	[tilespmem:s22], [sflag:$0x1] =	stream.indirect_vreg.gather [hbm4b:s2+s13], $0x1, v2, vm0, $0x4038;
	[tilespmem:$0x8400] =	vst v63  }
0xba: {  	v2 =	vadd.s32 $0x7A1500, v0;
	(ifvalue) =	ssetifvalue $0x7FFFFFFF  }
0xbb: {  	s22 =	sadd.s32 $0x1080, s21;
	(ifvalue) =	ssetifvalue $0x7FFFFFFF  }
0xbc: {  	[tilespmem:s22], [sflag:$0x1] =	stream.indirect_vreg.gather [hbm4b:s2+s13], $0x1, v1, vm0, $0x4038;
	[tilespmem:$0x8400] =	vst v63  }
0xbd: {  	v1 =	vadd.s32 $0x7A1580, v0;
	(ifvalue) =	ssetifvalue $0x7FFFFFFF  }
0xbe: {  	s22 =	sadd.s32 $0x1100, s21;
	(ifvalue) =	ssetifvalue $0x7FFFFFFF  }
0xbf: {  	[tilespmem:s22], [sflag:$0x1] =	stream.indirect_vreg.gather [hbm4b:s2+s13], $0x1, v2, vm0, $0x4038;
	[tilespmem:$0x8400] =	vst v63  }
0xc0: {  	v2 =	vadd.s32 $0x7A1600, v0;
	(ifvalue) =	ssetifvalue $0x7FFFFFFF  }
0xc1: {  	s22 =	sadd.s32 $0x1180, s21;
	(ifvalue) =	ssetifvalue $0x7FFFFFFF  }
0xc2: {  	[tilespmem:s22], [sflag:$0x1] =	stream.indirect_vreg.gather [hbm4b:s2+s13], $0x1, v1, vm0, $0x4038;
	[tilespmem:$0x8400] =	vst v63  }
0xc3: {  	v1 =	vadd.s32 $0x7A1680, v0;
	(ifvalue) =	ssetifvalue $0x7FFFFFFF  }
0xc4: {  	s22 =	sadd.s32 $0x1200, s21;
	(ifvalue) =	ssetifvalue $0x7FFFFFFF  }
0xc5: {  	[tilespmem:s22], [sflag:$0x1] =	stream.indirect_vreg.gather [hbm4b:s2+s13], $0x1, v2, vm0, $0x4038;
	[tilespmem:$0x8400] =	vst v63  }
0xc6: {  	v2 =	vadd.s32 $0x7A1700, v0;
	(ifvalue) =	ssetifvalue $0x7FFFFFFF  }
0xc7: {  	s22 =	sadd.s32 $0x1280, s21;
	(ifvalue) =	ssetifvalue $0x7FFFFFFF  }
0xc8: {  	[tilespmem:s22], [sflag:$0x1] =	stream.indirect_vreg.gather [hbm4b:s2+s13], $0x1, v1, vm0, $0x4038;
	[tilespmem:$0x8400] =	vst v63  }
0xc9: {  	v1 =	vadd.s32 $0x7A1780, v0;
	(ifvalue) =	ssetifvalue $0x7FFFFFFF  }
0xca: {  	s22 =	sadd.s32 $0x1300, s21;
	(ifvalue) =	ssetifvalue $0x7FFFFFFF  }
0xcb: {  	[tilespmem:s22], [sflag:$0x1] =	stream.indirect_vreg.gather [hbm4b:s2+s13], $0x1, v2, vm0, $0x4038;
	[tilespmem:$0x8400] =	vst v63  }
0xcc: {  	v2 =	vadd.s32 $0xF42800, v0;
	(ifvalue) =	ssetifvalue $0x7FFFFFFF  }
0xcd: {  	s22 =	sadd.s32 $0x1380, s21;
	(ifvalue) =	ssetifvalue $0x7FFFFFFF  }
0xce: {  	[tilespmem:s22], [sflag:$0x1] =	stream.indirect_vreg.gather [hbm4b:s2+s13], $0x1, v1, vm0, $0x4038;
	[tilespmem:$0x8400] =	vst v63  }
0xcf: {  	v1 =	vadd.s32 $0xF42880, v0;
	(ifvalue) =	ssetifvalue $0x7FFFFFFF  }
0xd0: {  	s22 =	sadd.s32 $0x2000, s21;
	(ifvalue) =	ssetifvalue $0x7FFFFFFF  }
0xd1: {  	[tilespmem:s22], [sflag:$0x1] =	stream.indirect_vreg.gather [hbm4b:s2+s13], $0x1, v2, vm0, $0x4038;
	[tilespmem:$0x8400] =	vst v63  }
0xd2: {  	v2 =	vadd.s32 $0xF42900, v0;
	(ifvalue) =	ssetifvalue $0x7FFFFFFF  }
0xd3: {  	s22 =	sadd.s32 $0x2080, s21;
	(ifvalue) =	ssetifvalue $0x7FFFFFFF  }
0xd4: {  	[tilespmem:s22], [sflag:$0x1] =	stream.indirect_vreg.gather [hbm4b:s2+s13], $0x1, v1, vm0, $0x4038;
	[tilespmem:$0x8400] =	vst v63  }
0xd5: {  	v1 =	vadd.s32 $0xF42980, v0;
	(ifvalue) =	ssetifvalue $0x7FFFFFFF  }
0xd6: {  	s22 =	sadd.s32 $0x2100, s21;
	(ifvalue) =	ssetifvalue $0x7FFFFFFF  }
0xd7: {  	[tilespmem:s22], [sflag:$0x1] =	stream.indirect_vreg.gather [hbm4b:s2+s13], $0x1, v2, vm0, $0x4038;
	[tilespmem:$0x8400] =	vst v63  }
0xd8: {  	v2 =	vadd.s32 $0xF42A00, v0;
	(ifvalue) =	ssetifvalue $0x7FFFFFFF  }
0xd9: {  	s22 =	sadd.s32 $0x2180, s21;
	(ifvalue) =	ssetifvalue $0x7FFFFFFF  }
0xda: {  	[tilespmem:s22], [sflag:$0x1] =	stream.indirect_vreg.gather [hbm4b:s2+s13], $0x1, v1, vm0, $0x4038;
	[tilespmem:$0x8400] =	vst v63  }
0xdb: {  	v1 =	vadd.s32 $0xF42A80, v0;
	(ifvalue) =	ssetifvalue $0x7FFFFFFF  }
0xdc: {  	s22 =	sadd.s32 $0x2200, s21;
	(ifvalue) =	ssetifvalue $0x7FFFFFFF  }
0xdd: {  	[tilespmem:s22], [sflag:$0x1] =	stream.indirect_vreg.gather [hbm4b:s2+s13], $0x1, v2, vm0, $0x4038;
	[tilespmem:$0x8400] =	vst v63  }
0xde: {  	v2 =	vadd.s32 $0xF42B00, v0;
	(ifvalue) =	ssetifvalue $0x7FFFFFFF  }
0xdf: {  	s22 =	sadd.s32 $0x2280, s21;
	(ifvalue) =	ssetifvalue $0x7FFFFFFF  }
0xe0: {  	[tilespmem:s22], [sflag:$0x1] =	stream.indirect_vreg.gather [hbm4b:s2+s13], $0x1, v1, vm0, $0x4038;
	[tilespmem:$0x8400] =	vst v63  }
0xe1: {  	v1 =	vadd.s32 $0xF42B80, v0;
	(ifvalue) =	ssetifvalue $0x7FFFFFFF  }
0xe2: {  	s22 =	sadd.s32 $0x2300, s21;
	(ifvalue) =	ssetifvalue $0x7FFFFFFF  }
0xe3: {  	[tilespmem:s22], [sflag:$0x1] =	stream.indirect_vreg.gather [hbm4b:s2+s13], $0x1, v2, vm0, $0x4038;
	[tilespmem:$0x8400] =	vst v63  }
0xe4: {  	v2 =	vadd.s32 $0x16E3C00, v0;
	(ifvalue) =	ssetifvalue $0x7FFFFFFF  }
0xe5: {  	s22 =	sadd.s32 $0x2380, s21;
	(ifvalue) =	ssetifvalue $0x7FFFFFFF  }
0xe6: {  	[tilespmem:s22], [sflag:$0x1] =	stream.indirect_vreg.gather [hbm4b:s2+s13], $0x1, v1, vm0, $0x4038;
	[tilespmem:$0x8400] =	vst v63  }
0xe7: {  	v1 =	vadd.s32 $0x16E3C80, v0;
	(ifvalue) =	ssetifvalue $0x7FFFFFFF  }
0xe8: {  	s22 =	sadd.s32 $0x3000, s21;
	(ifvalue) =	ssetifvalue $0x7FFFFFFF  }
0xe9: {  	[tilespmem:s22], [sflag:$0x1] =	stream.indirect_vreg.gather [hbm4b:s2+s13], $0x1, v2, vm0, $0x4038;
	[tilespmem:$0x8400] =	vst v63  }
0xea: {  	v2 =	vadd.s32 $0x16E3D00, v0;
	(ifvalue) =	ssetifvalue $0x7FFFFFFF  }
0xeb: {  	s22 =	sadd.s32 $0x3080, s21;
	(ifvalue) =	ssetifvalue $0x7FFFFFFF  }
0xec: {  	[tilespmem:s22], [sflag:$0x1] =	stream.indirect_vreg.gather [hbm4b:s2+s13], $0x1, v1, vm0, $0x4038;
	[tilespmem:$0x8400] =	vst v63  }
0xed: {  	v1 =	vadd.s32 $0x16E3D80, v0;
	(ifvalue) =	ssetifvalue $0x7FFFFFFF  }
0xee: {  	s22 =	sadd.s32 $0x3100, s21;
	(ifvalue) =	ssetifvalue $0x7FFFFFFF  }
0xef: {  	[tilespmem:s22], [sflag:$0x1] =	stream.indirect_vreg.gather [hbm4b:s2+s13], $0x1, v2, vm0, $0x4038;
	[tilespmem:$0x8400] =	vst v63  }
0xf0: {  	v2 =	vadd.s32 $0x16E3E00, v0;
	(ifvalue) =	ssetifvalue $0x7FFFFFFF  }
0xf1: {  	s22 =	sadd.s32 $0x3180, s21;
	(ifvalue) =	ssetifvalue $0x7FFFFFFF  }
0xf2: {  	[tilespmem:s22], [sflag:$0x1] =	stream.indirect_vreg.gather [hbm4b:s2+s13], $0x1, v1, vm0, $0x4038;
	[tilespmem:$0x8400] =	vst v63  }
0xf3: {  	v1 =	vadd.s32 $0x16E3E80, v0;
	(ifvalue) =	ssetifvalue $0x7FFFFFFF  }
0xf4: {  	s22 =	sadd.s32 $0x3200, s21;
	(ifvalue) =	ssetifvalue $0x7FFFFFFF  }
0xf5: {  	[tilespmem:s22], [sflag:$0x1] =	stream.indirect_vreg.gather [hbm4b:s2+s13], $0x1, v2, vm0, $0x4038;
	[tilespmem:$0x8400] =	vst v63  }
0xf6: {  	v2 =	vadd.s32 $0x16E3F00, v0;
	(ifvalue) =	ssetifvalue $0x7FFFFFFF  }
0xf7: {  	s22 =	sadd.s32 $0x3280, s21;
	(ifvalue) =	ssetifvalue $0x7FFFFFFF  }
0xf8: {  	[tilespmem:s22], [sflag:$0x1] =	stream.indirect_vreg.gather [hbm4b:s2+s13], $0x1, v1, vm0, $0x4038;
	[tilespmem:$0x8400] =	vst v63  }
.Ltmp3:
0xf9: {  	v0 =	vadd.s32 $0x16E3F80, v0;
	(ifvalue) =	ssetifvalue $0x7FFFFFFF;
	(pc) =	sbr.rel @p1 .LBB2_3-.Ltmp3, $4  }
0xfa: {  	s22 =	sadd.s32 $0x3300, s21;
	(ifvalue) =	ssetifvalue $0x7FFFFFFF  }
0xfb: {  	[tilespmem:s22], [sflag:$0x1] =	stream.indirect_vreg.gather [hbm4b:s2+s13], $0x1, v2, vm0, $0x4038;
	[tilespmem:$0x8400] =	vst v63  }
0xfc: {  	s19 =	sadd.s32 $0x10, s19;
	(ifvalue) =	ssetifvalue $0x7FFFFFFF  }
0xfd: {  	s20 =	sadd.s32 $0x80, s20;
	s21 =	sadd.s32 $0x3380, s21;
	(ifvalue) =	ssetifvalue $0x7FFFFFFF  }
.Ltmp4:
0xfe: {  	_ = 	snop;
	(pc) =	sbr.rel .LBB2_4-.Ltmp4, $1  }
0xff: {  	_ =	sdelay $0x3  }
.LBB2_6:
0x100: {  	_ =	sfence.sel $0x180000  }
0x101: {  	s2 =	simm.s32 $0x2;
	[bflag:$0x0] =	sbarrier.arrive $0xFFFF  }
0x102: {  	s30 =	simm.s32 $0x3;
	[sflag:s2] =	ssyncpa.u1 $0x1  }
0x103: {  	s31 =	simm.s32 $0x1;
	[sflag:s30] =	ssyncpa.u1 $0x1  }
0x104: {  	[sflag:s31] =	ssyncpa.u1 $0x1  }
0x105: {  	p0 =	sne.s32 s0, $0x0;
	_ =	strace $0x90000047  }
0x106: {  	s0 =	sadd.s32 @!p0 $0x100000, s1;
	[bflag:$0x2] =	sbarrier.arrive $0xFFFF  }
0x107: {  	[sflag:s0] =	ssyncadd.tile.s32 @!p0 $0x1;
	_ =	shalt  }
.Lfunc_end2:
_tile_overlayer_lowered:
.L_overlay_start_2:
0x108: {  	(tag) =	ssettag $0x2  }
0x109: {  	s0 =	rddreg [dreg:$0x0];
	s2 =	stileid.u32  }
0x10a: {  	s1 =	rddreg [dreg:$0x1];
	p0 =	sne.s32 s2, $0x0  }
0x10b: {  	s3 =	rddreg [dreg:$0x2];
	[bflag:$0x3] =	sbarrier.arrive $0xFFFF;
	s2 =	simm.s32 @!p0 $0x1C01  }
0x10c: {  	[timem:s3], [sflag:s2] =	dma.local @!p0 [hbm:s0], s1  }
0x10d: {  	s0 =	simm.s32 @!p0 $0x1  }
0x10e: {  	_ =	swait.ge @!p0 [sflag:s0], s1  }
0x10f: {  	s1 =	ssub.s32 @!p0 $0x0, s1;
	[sflag:s0] =	ssyncset.done @!p0 $0x0  }
0x110: {  	[sflag:s0] =	ssyncadd.s32 @!p0 s1  }
0x111: {  	[bflag:$0x3] =	sbarrier.arrive $0xFFFF  }
0x112: {  	_ =	shalt  }

</sc_bundles>
